<compile_context>
chip_gen: v7x
topology: tpu7x:2x2x1
jax: 0.10.2.dev20260603
libtpu: 0.0.44.dev20260713+nightly
codegen_flags: <defaults>
</compile_context>

<pallas_src>
import functools
import math

import jax
import jax.numpy as jnp
from jax import lax
from jax.experimental import pallas as pl
from jax.experimental.pallas import tpu as pltpu
from jax.experimental.pallas import tpu_sc as plsc

B = 2
P = 512
T = B * P
D_MODEL = 768
N_HEADS = 12
D_HEAD = D_MODEL // N_HEADS
D_FF = 3072
N_EXPERTS = 4
M_FEATS = int(D_HEAD * math.log(D_HEAD))
M_PAD = 384
HEADS_PER_BLK = 2
CIN_FLAT = 128
F_BLK = 1536
N_FBLK = D_FF // F_BLK
BT = 256
NBLK = 12
SROWS = NBLK * BT
NC, NS = 2, 16
NW = NC * NS


def _embed_qkv_body(xf_ref, wemb_ref, wq_ref, bq_ref, wk_ref, bk_ref,
                    wv_ref, bv_ref, h_ref, qn_ref, kn_ref, vn_ref):
    h = jnp.dot(xf_ref[...], wemb_ref[...], preferred_element_type=jnp.float32)
    h_ref[...] = h
    dn = 1.0 / (float(D_HEAD) ** 0.25)
    qn_ref[...] = (jnp.dot(h, wq_ref[...], preferred_element_type=jnp.float32)
                   + bq_ref[...]) * dn
    kn_ref[...] = (jnp.dot(h, wk_ref[...], preferred_element_type=jnp.float32)
                   + bk_ref[...]) * dn
    vn_ref[...] = jnp.dot(h, wv_ref[...], preferred_element_type=jnp.float32) + bv_ref[...]


def _performer_one_head(qb, kb, vb, om):
    dims = (((1,), (1,)), ((), ()))
    pq = jax.lax.dot_general(qb, om, dims, preferred_element_type=jnp.float32)
    pk = jax.lax.dot_general(kb, om, dims, preferred_element_type=jnp.float32)
    lane = jax.lax.broadcasted_iota(jnp.int32, (P, M_PAD), 1)
    valid = lane < M_FEATS
    dq = 0.5 * jnp.sum(qb * qb, axis=-1, keepdims=True)
    dk = 0.5 * jnp.sum(kb * kb, axis=-1, keepdims=True)
    mq = jnp.max(pq, axis=-1, keepdims=True)
    mk = jnp.max(pk)
    inv_sqrt_m = jnp.float32(1.0 / math.sqrt(M_FEATS))
    eps = jnp.float32(1e-6)
    qp = jnp.exp(pq - (dq + mq)) * inv_sqrt_m + eps
    kp = jnp.where(valid, jnp.exp(pk - (dk + mk)) * inv_sqrt_m + eps, 0.0)
    kv = jax.lax.dot_general(kp, vb, (((0,), (0,)), ((), ())),
                             preferred_element_type=jnp.float32)
    ksum = jnp.sum(kp, axis=0, keepdims=True)
    z = jax.lax.dot_general(qp, ksum, (((1,), (1,)), ((), ())),
                            preferred_element_type=jnp.float32)
    return jnp.dot(qp, kv, preferred_element_type=jnp.float32) / z


def _performer_body(qn_ref, kn_ref, vn_ref, om_ref, o_ref):
    om = om_ref[...]
    outs = []
    for hh in range(HEADS_PER_BLK):
        sl = (slice(None), slice(hh * D_HEAD, (hh + 1) * D_HEAD))
        outs.append(_performer_one_head(
            qn_ref[0][sl], kn_ref[0][sl], vn_ref[0][sl], om))
    o_ref[0] = jnp.concatenate(outs, axis=1)


def _layernorm(s, g, b):
    mu = jnp.mean(s, axis=-1, keepdims=True)
    var = jnp.mean((s - mu) ** 2, axis=-1, keepdims=True)
    return (s - mu) * jax.lax.rsqrt(var + 1e-5) * g + b


def _proj_router_body(attn_ref, wo_ref, bo_ref, h_ref, g2_ref, be2_ref,
                      wg_ref, bg_ref, h2_ref, route_ref, src_ref, meta_ref):
    a = jnp.dot(attn_ref[...], wo_ref[...], preferred_element_type=jnp.float32) + bo_ref[...]
    h2 = _layernorm(h_ref[...] + a, g2_ref[...], be2_ref[...])
    h2_ref[...] = h2

    logits = jnp.dot(h2, wg_ref[...], preferred_element_type=jnp.float32) + bg_ref[...]
    lane = jax.lax.broadcasted_iota(jnp.int32, (T, 128), 1)
    logits = jnp.where(lane < N_EXPERTS, logits, jnp.float32(-1e30))
    big = jnp.int32(10**6)
    m1 = jnp.max(logits, axis=-1, keepdims=True)
    i1 = jnp.min(jnp.where(logits == m1, lane, big), axis=-1, keepdims=True)
    first1 = lane == i1
    l2 = jnp.where(first1, jnp.float32(-1e30), logits)
    m2 = jnp.max(l2, axis=-1, keepdims=True)
    i2 = jnp.min(jnp.where(l2 == m2, lane, big), axis=-1, keepdims=True)
    first2 = lane == i2
    ex = jnp.exp(m2 - m1)
    g1 = 1.0 / (1.0 + ex)
    g2v = ex / (1.0 + ex)

    oh = (jnp.where(first1, 1.0, 0.0) + jnp.where(first2, 1.0, 0.0))
    r_i = jax.lax.broadcasted_iota(jnp.int32, (T, T), 0)
    c_i = jax.lax.broadcasted_iota(jnp.int32, (T, T), 1)
    ltri = jnp.where(c_i < r_i, 1.0, 0.0)
    pos = jnp.dot(ltri, oh, preferred_element_type=jnp.float32)
    cnt = jnp.sum(oh, axis=0, keepdims=True)
    cntp = jnp.ceil(cnt * (1.0 / BT)) * BT
    u_i = jax.lax.broadcasted_iota(jnp.int32, (128, 128), 0)
    v_i = jax.lax.broadcasted_iota(jnp.int32, (128, 128), 1)
    ut = jnp.where(u_i < v_i, 1.0, 0.0)
    base = jnp.dot(cntp, ut, preferred_element_type=jnp.float32)
    dest = base + pos
    d0 = jnp.sum(jnp.where(first1, dest, 0.0), axis=-1, keepdims=True)
    d1 = jnp.sum(jnp.where(first2, dest, 0.0), axis=-1, keepdims=True)
    route_ref[...] = (jnp.where(lane == 0, d0, 0.0) + jnp.where(lane == 1, d1, 0.0)
                      + jnp.where(lane == 2, g1, 0.0) + jnp.where(lane == 3, g2v, 0.0))

    p_i = jax.lax.broadcasted_iota(jnp.int32, (T, SROWS), 1).astype(jnp.float32)
    occ = jnp.where((p_i == d0) | (p_i == d1), 1.0, 0.0)
    tv = jax.lax.broadcasted_iota(jnp.int32, (1, T), 1).astype(jnp.float32)
    src_ref[...] = jax.lax.dot_general(
        tv, occ, (((1,), (0,)), ((), ())),
        precision=jax.lax.Precision.HIGHEST,
        preferred_element_type=jnp.float32)

    blk = jax.lax.broadcasted_iota(jnp.int32, (1, 128), 1).astype(jnp.float32)
    eid = jnp.zeros((1, 128), jnp.float32) - 1.0
    for e in range(N_EXPERTS):
        be = jnp.sum(jnp.where(lane[:1] == e, base, 0.0))
        eid = eid + jnp.where(blk * BT >= be, 1.0, 0.0)
    nact = jnp.sum(cntp) * (1.0 / BT)
    meta_ref[...] = jnp.where(lane[:1] < NBLK, eid, nact)


def _grouped_moe_body(eid_ref, nact_ref, xs_ref, w1_ref, b1_ref, w2_ref,
                      b2_ref, y_ref, yacc_ref):
    f = pl.program_id(0)
    i = pl.program_id(1)
    rows = pl.ds(i * BT, BT)

    @pl.when(i < nact_ref[0])
    def _active():
        hb = jnp.maximum(
            jnp.dot(xs_ref[...], w1_ref[0], preferred_element_type=jnp.float32)
            + b1_ref[0], 0.0)
        part = jnp.dot(hb, w2_ref[0], preferred_element_type=jnp.float32)

        @pl.when(f == 0)
        def _first():
            yacc_ref[rows, :] = part

        @pl.when(f == N_FBLK - 1)
        def _last():
            y_ref[rows, :] = yacc_ref[rows, :] + part + b2_ref[0]


def _combine_body(h2_ref, route_ref, yab_ref, g3_ref, be3_ref, out_ref):
    lane = jax.lax.broadcasted_iota(jnp.int32, (T, 128), 1)
    g0 = jnp.sum(jnp.where(lane == 2, route_ref[...], 0.0), axis=-1, keepdims=True)
    g1 = jnp.sum(jnp.where(lane == 3, route_ref[...], 0.0), axis=-1, keepdims=True)
    ya = yab_ref[:T]
    yb = yab_ref[T:]
    s = h2_ref[...] + g0 * ya + g1 * yb
    out_ref[...] = _layernorm(s, g3_ref[...], be3_ref[...])


def _sc_gather(table, idx, n_rows):
    b_per_w = n_rows // NW
    mesh = plsc.VectorSubcoreMesh(core_axis_name="c", subcore_axis_name="s")

    @functools.partial(
        pl.kernel, mesh=mesh,
        out_type=jax.ShapeDtypeStruct((n_rows, D_MODEL), jnp.float32),
        scratch_types=[
            pltpu.VMEM((b_per_w,), jnp.int32),
            pltpu.VMEM((b_per_w, D_MODEL), jnp.float32),
            pltpu.SemaphoreType.DMA,
        ],
    )
    def k(table_hbm, idx_hbm, out_hbm, idx_v, rows_v, sem):
        wid = lax.axis_index("s") * NC + lax.axis_index("c")
        base = wid * b_per_w
        pltpu.sync_copy(idx_hbm.at[pl.ds(base, b_per_w)], idx_v)
        pltpu.async_copy(table_hbm.at[idx_v], rows_v, sem).wait()
        pltpu.sync_copy(rows_v, out_hbm.at[pl.ds(base, b_per_w)])

    return k(table, idx)


def kernel(x, W_emb, Wq, bq, Wk, bk, Wv, bv, Wo, bo, omega, Wg, bg,
           W1, b1, W2, b2, g2, be2, g3, be3):
    xf = x.reshape(T, -1)
    om_pad = jnp.zeros((M_PAD, D_HEAD), jnp.float32).at[:M_FEATS].set(omega)
    wg_pad = jnp.zeros((D_MODEL, 128), jnp.float32).at[:, :N_EXPERTS].set(Wg)
    bg_pad = jnp.zeros((1, 128), jnp.float32).at[0, :N_EXPERTS].set(bg)
    r2 = lambda a: a.reshape(1, -1)

    h, qn, kn, vn = pl.pallas_call(
        _embed_qkv_body,
        out_shape=[jax.ShapeDtypeStruct((T, D_MODEL), jnp.float32)] * 4,
    )(xf, W_emb, Wq, r2(bq), Wk, r2(bk), Wv, r2(bv))

    head_spec = pl.BlockSpec((1, P, HEADS_PER_BLK * D_HEAD),
                             lambda b, hh: (b, 0, hh))
    attn = pl.pallas_call(
        _performer_body,
        grid=(B, N_HEADS // HEADS_PER_BLK),
        in_specs=[head_spec, head_spec, head_spec,
                  pl.BlockSpec((M_PAD, D_HEAD), lambda b, hh: (0, 0))],
        out_specs=head_spec,
        out_shape=jax.ShapeDtypeStruct((B, P, D_MODEL), jnp.float32),
    )(qn.reshape(B, P, D_MODEL), kn.reshape(B, P, D_MODEL),
      vn.reshape(B, P, D_MODEL), om_pad)

    h2, route, srcf, meta = pl.pallas_call(
        _proj_router_body,
        out_shape=[jax.ShapeDtypeStruct((T, D_MODEL), jnp.float32),
                   jax.ShapeDtypeStruct((T, 128), jnp.float32),
                   jax.ShapeDtypeStruct((1, SROWS), jnp.float32),
                   jax.ShapeDtypeStruct((1, 128), jnp.float32)],
    )(attn.reshape(T, D_MODEL), Wo, r2(bo), h, r2(g2), r2(be2), wg_pad, bg_pad)

    src = srcf.reshape(SROWS).astype(jnp.int32)
    eid = meta[0, :NBLK].astype(jnp.int32)
    nact = meta[0, NBLK:NBLK + 1].astype(jnp.int32)
    dcat = jnp.concatenate([route[:, 0], route[:, 1]]).astype(jnp.int32)

    xs = _sc_gather(h2, src, SROWS)

    grid_spec = pltpu.PrefetchScalarGridSpec(
        num_scalar_prefetch=2,
        grid=(N_FBLK, NBLK),
        in_specs=[
            pl.BlockSpec((BT, D_MODEL), lambda f, i, eid_r, na_r: (i, 0)),
            pl.BlockSpec((1, D_MODEL, F_BLK), lambda f, i, eid_r, na_r: (eid_r[i], 0, f)),
            pl.BlockSpec((1, 1, F_BLK), lambda f, i, eid_r, na_r: (eid_r[i], 0, f)),
            pl.BlockSpec((1, F_BLK, D_MODEL), lambda f, i, eid_r, na_r: (eid_r[i], f, 0)),
            pl.BlockSpec((1, 1, D_MODEL), lambda f, i, eid_r, na_r: (eid_r[i], 0, 0)),
        ],
        out_specs=pl.BlockSpec((SROWS, D_MODEL), lambda f, i, eid_r, na_r: (0, 0)),
        scratch_shapes=[pltpu.VMEM((SROWS, D_MODEL), jnp.float32)],
    )
    y = pl.pallas_call(
        _grouped_moe_body,
        grid_spec=grid_spec,
        out_shape=jax.ShapeDtypeStruct((SROWS, D_MODEL), jnp.float32),
    )(eid, nact, xs, W1, b1.reshape(N_EXPERTS, 1, D_FF), W2,
      b2.reshape(N_EXPERTS, 1, D_MODEL))

    yab = _sc_gather(y, dcat, 2 * T)

    out = pl.pallas_call(
        _combine_body,
        out_shape=jax.ShapeDtypeStruct((T, D_MODEL), jnp.float32),
    )(h2, route, yab, r2(g3), r2(be3))

    return out.reshape(B, 1, P, D_MODEL)

# --- scband reference (transcript-rebuilt; emitter-appended) ---
"""Pipeline reference for scband-temporal-embedding-15135464751440 (READ-ONLY COPY).

The authoritative reference and input builder live on the scoring server;
editing this copy changes nothing except your own understanding.
"""

import jax, jax.numpy as jnp
import numpy as np
import math

B = 2
P = 512
PL = 16
CIN = 8
CHANNELS = 128
D_MODEL = 768
N_HEADS = 12
D_FF = 3072
N_EXPERTS = 4
TOP_K = 2
D_HEAD = D_MODEL // N_HEADS
M_FEATS = int(D_HEAD * math.log(D_HEAD))


def _layernorm(x, g, b, eps=1e-5):
    mu = jnp.mean(x, axis=-1, keepdims=True)
    var = jnp.mean((x - mu) ** 2, axis=-1, keepdims=True)
    return (x - mu) / jnp.sqrt(var + eps) * g + b


def _performer(x, Wq, bq, Wk, bk, Wv, bv, Wo, bo, omega):
    lead = x.shape[:-2]
    N = x.shape[-2]
    D = x.shape[-1]
    x2 = x.reshape(-1, N, D)
    Bf = x2.shape[0]

    def split(t):
        return t.reshape(Bf, N, N_HEADS, D_HEAD).transpose(0, 2, 1, 3)

    q = split(x2 @ Wq + bq)
    k = split(x2 @ Wk + bk)
    v = split(x2 @ Wv + bv)
    dn = 1.0 / (float(D_HEAD) ** 0.25)
    qn = q * dn
    kn = k * dn
    pq = jnp.einsum('bhnd,md->bhnm', qn, omega)
    pk = jnp.einsum('bhnd,md->bhnm', kn, omega)
    dq = 0.5 * jnp.sum(qn * qn, axis=-1, keepdims=True)
    dk = 0.5 * jnp.sum(kn * kn, axis=-1, keepdims=True)
    qp = jnp.exp(pq - dq - jnp.max(pq, axis=-1, keepdims=True)) / math.sqrt(M_FEATS) + 1e-6
    kp = jnp.exp(pk - dk - jnp.max(pk, axis=(-1, -2), keepdims=True)) / math.sqrt(M_FEATS) + 1e-6
    kv = jnp.einsum('bhnm,bhnd->bhmd', kp, v)
    z = jnp.einsum('bhnm,bhm->bhn', qp, jnp.sum(kp, axis=2))
    o = jnp.einsum('bhnm,bhmd->bhnd', qp, kv) / z[..., None]
    o = o.transpose(0, 2, 1, 3).reshape(Bf, N, D)
    o = o @ Wo + bo
    return o.reshape(lead + (N, D))


def _moe(x2d, Wg, bg, W1, b1, W2, b2):
    T = x2d.shape[0]
    logits = x2d @ Wg + bg
    vals, idx = jax.lax.top_k(logits, TOP_K)
    gates_k = jax.nn.softmax(vals, axis=-1)
    gates = jnp.zeros_like(logits).at[jnp.arange(T)[:, None], idx].set(gates_k)
    h = jax.nn.relu(jnp.einsum('td,edf->etf', x2d, W1) + b1[:, None, :])
    y = jnp.einsum('etf,efd->etd', h, W2) + b2[:, None, :]
    return jnp.einsum('te,etd->td', gates, y)


def setup_inputs(seed: int = 0):
    key = jax.random.key(seed)
    ks = jax.random.split(key, 16)

    def nrm(k, shape, s=0.02):
        return jax.random.normal(k, shape, dtype=jnp.float32) * s

    inp = {}
    inp['x'] = jax.random.normal(ks[0], (B, P, PL, CIN), dtype=jnp.float32)
    inp['W_emb'] = nrm(ks[1], (CHANNELS, D_MODEL))
    inp['Wq'] = nrm(ks[2], (D_MODEL, D_MODEL))
    inp['bq'] = jnp.zeros((D_MODEL,), jnp.float32)
    inp['Wk'] = nrm(ks[3], (D_MODEL, D_MODEL))
    inp['bk'] = jnp.zeros((D_MODEL,), jnp.float32)
    inp['Wv'] = nrm(ks[4], (D_MODEL, D_MODEL))
    inp['bv'] = jnp.zeros((D_MODEL,), jnp.float32)
    inp['Wo'] = nrm(ks[5], (D_MODEL, D_MODEL))
    inp['bo'] = jnp.zeros((D_MODEL,), jnp.float32)
    inp['omega'] = jax.random.normal(ks[6], (M_FEATS, D_HEAD), dtype=jnp.float32)
    inp['Wg'] = nrm(ks[7], (D_MODEL, N_EXPERTS))
    inp['bg'] = jnp.zeros((N_EXPERTS,), jnp.float32)
    inp['W1'] = nrm(ks[8], (N_EXPERTS, D_MODEL, D_FF))
    inp['b1'] = jnp.zeros((N_EXPERTS, D_FF), jnp.float32)
    inp['W2'] = nrm(ks[9], (N_EXPERTS, D_FF, D_MODEL))
    inp['b2'] = jnp.zeros((N_EXPERTS, D_MODEL), jnp.float32)
    inp['g2'] = jnp.ones((D_MODEL,), jnp.float32)
    inp['be2'] = jnp.zeros((D_MODEL,), jnp.float32)
    inp['g3'] = jnp.ones((D_MODEL,), jnp.float32)
    inp['be3'] = jnp.zeros((D_MODEL,), jnp.float32)
    return inp


def reference(x, W_emb, Wq, bq, Wk, bk, Wv, bv, Wo, bo, omega, Wg, bg, W1, b1, W2, b2, g2, be2, g3, be3):
    xf = x.reshape(x.shape[0], x.shape[1], -1)
    h = xf @ W_emb
    h = h[:, None, :, :]
    res = h
    a = _performer(h, Wq, bq, Wk, bk, Wv, bv, Wo, bo, omega)
    h = _layernorm(res + a, g2, be2)
    res = h
    f = _moe(h.reshape(-1, D_MODEL), Wg, bg, W1, b1, W2, b2).reshape(h.shape)
    h = _layernorm(res + f, g3, be3)
    return h

if __name__ == "__main__":
    import jax
    _d = setup_inputs()
    print(jax.jit(kernel)(*tuple(_d.values())))

</pallas_src>

<mosaic_0001>
#map = affine_map<(d0, d1) -> (0, 0)>
#map1 = affine_map<(d0, d1) -> (0)>
module attributes {stable_mosaic.version = 14 : i64} {
  func.func @k(%arg0: i32, %arg1: i32, %arg2: memref<1024x768xf32, #tpu.memory_space<hbm>>, %arg3: memref<3072xi32, #tpu.memory_space<hbm>>, %arg4: memref<3072x768xf32, #tpu.memory_space<hbm>>, %arg5: memref<96xi32, #tpu.memory_space<vmem>>, %arg6: memref<96x768xf32, #tpu.memory_space<vmem>>, %arg7: memref<!tpu.dma_semaphore, #tpu.memory_space<semaphore_mem>>) attributes {dimension_semantics = [#tpu.dimension_semantics<core_parallel>, #tpu.dimension_semantics<subcore_parallel>], iteration_bounds = array<i64: 2, 16>, scalar_prefetch = 0 : i64, scratch_operands = 3 : i64, tpu.core_type = #tpu.core_type<sc_vector_subcore>, window_params = [{transform_indices = #map}, {transform_indices = #map1}, {transform_indices = #map}]} {
    %mul3A = arith.constant 2 : i32
    %mul3A_0 = arith.muli %arg1, %mul3A : i32
    %add3A = arith.addi %mul3A_0, %arg0 : i32
    %mul3A_1 = arith.constant 96 : i32
    %mul3A_2 = arith.muli %add3A, %mul3A_1 : i32
    "tpu.region"() ({
      %run_scoped3A = tpu.sem_alloc : memref<!tpu.dma_semaphore, #tpu.memory_space<semaphore_mem>>
      %dma_start3A_7 = tpu.memref_slice %arg3[%mul3A_2] : memref<3072xi32, #tpu.memory_space<hbm>> -> memref<96xi32, #tpu.memory_space<hbm>>
      %dma_start3A_8 = tpu.memref_slice %arg3[%mul3A_2] : memref<3072xi32, #tpu.memory_space<hbm>> -> memref<96xi32, #tpu.memory_space<hbm>>
      tpu.enqueue_dma source(%dma_start3A_8 : memref<96xi32, #tpu.memory_space<hbm>>) target(%arg5 : memref<96xi32, #tpu.memory_space<vmem>>) target_semaphore(%run_scoped3A : memref<!tpu.dma_semaphore, #tpu.memory_space<semaphore_mem>>)
      %dma_wait3A_9 = tpu.memref_slice %arg3[%mul3A_2] : memref<3072xi32, #tpu.memory_space<hbm>> -> memref<96xi32, #tpu.memory_space<hbm>>
      %dma_wait3A_10 = tpu.memref_slice %arg3[%mul3A_2] : memref<3072xi32, #tpu.memory_space<hbm>> -> memref<96xi32, #tpu.memory_space<hbm>>
      tpu.wait_dma2 semaphore(%run_scoped3A : memref<!tpu.dma_semaphore, #tpu.memory_space<semaphore_mem>>) src(%dma_wait3A_10 : memref<96xi32, #tpu.memory_space<hbm>>) dst(%arg5 : memref<96xi32, #tpu.memory_space<vmem>>)
      tpu.yield
    }) : () -> ()
    %dma_start3A = arith.constant 0 : i32
    %dma_start3A_3 = arith.constant 0 : i32
    %dma_start3A_4 = tpu.memref_slice %arg2[%dma_start3A, %dma_start3A_3] : memref<1024x768xf32, #tpu.memory_space<hbm>> -> memref<1024x768xf32, #tpu.memory_space<hbm>>
    tpu.enqueue_indirect_dma source(%dma_start3A_4 : memref<1024x768xf32, #tpu.memory_space<hbm>>) target(%arg6 : memref<96x768xf32, #tpu.memory_space<vmem>>) offsets(%arg5 : memref<96xi32, #tpu.memory_space<vmem>>) semaphore(%arg7 : memref<!tpu.dma_semaphore, #tpu.memory_space<semaphore_mem>>)
    %dma_wait3A = arith.constant 0 : i32
    %dma_wait3A_5 = arith.constant 0 : i32
    %dma_wait3A_6 = tpu.memref_slice %arg2[%dma_wait3A, %dma_wait3A_5] : memref<1024x768xf32, #tpu.memory_space<hbm>> -> memref<1024x768xf32, #tpu.memory_space<hbm>>
    tpu.wait_indirect_dma semaphore(%arg7 : memref<!tpu.dma_semaphore, #tpu.memory_space<semaphore_mem>>) src(%dma_wait3A_6 : memref<1024x768xf32, #tpu.memory_space<hbm>>) dst(%arg6 : memref<96x768xf32, #tpu.memory_space<vmem>>)
    "tpu.region"() ({
      %run_scoped3A = tpu.sem_alloc : memref<!tpu.dma_semaphore, #tpu.memory_space<semaphore_mem>>
      %dma_start3A_7 = arith.constant 0 : i32
      %dma_start3A_8 = tpu.memref_slice %arg4[%mul3A_2, %dma_start3A_7] : memref<3072x768xf32, #tpu.memory_space<hbm>> -> memref<96x768xf32, #tpu.memory_space<hbm>>
      %dma_start3A_9 = arith.constant 0 : i32
      %dma_start3A_10 = tpu.memref_slice %arg4[%mul3A_2, %dma_start3A_9] : memref<3072x768xf32, #tpu.memory_space<hbm>> -> memref<96x768xf32, #tpu.memory_space<hbm>>
      tpu.enqueue_dma source(%arg6 : memref<96x768xf32, #tpu.memory_space<vmem>>) target(%dma_start3A_10 : memref<96x768xf32, #tpu.memory_space<hbm>>) target_semaphore(%run_scoped3A : memref<!tpu.dma_semaphore, #tpu.memory_space<semaphore_mem>>)
      %dma_wait3A_11 = arith.constant 0 : i32
      %dma_wait3A_12 = tpu.memref_slice %arg4[%mul3A_2, %dma_wait3A_11] : memref<3072x768xf32, #tpu.memory_space<hbm>> -> memref<96x768xf32, #tpu.memory_space<hbm>>
      %dma_wait3A_13 = arith.constant 0 : i32
      %dma_wait3A_14 = tpu.memref_slice %arg4[%mul3A_2, %dma_wait3A_13] : memref<3072x768xf32, #tpu.memory_space<hbm>> -> memref<96x768xf32, #tpu.memory_space<hbm>>
      tpu.wait_dma2 semaphore(%run_scoped3A : memref<!tpu.dma_semaphore, #tpu.memory_space<semaphore_mem>>) src(%arg6 : memref<96x768xf32, #tpu.memory_space<vmem>>) dst(%dma_wait3A_14 : memref<96x768xf32, #tpu.memory_space<hbm>>)
      tpu.yield
    }) : () -> ()
    return
  }
}

#map = affine_map<(d0, d1) -> (0, 0)>
#map1 = affine_map<(d0, d1) -> (0)>
module attributes {stable_mosaic.version = 14 : i64} {
  func.func @k(%arg0: i32, %arg1: i32, %arg2: memref<3072x768xf32, #tpu.memory_space<hbm>>, %arg3: memref<2048xi32, #tpu.memory_space<hbm>>, %arg4: memref<2048x768xf32, #tpu.memory_space<hbm>>, %arg5: memref<64xi32, #tpu.memory_space<vmem>>, %arg6: memref<64x768xf32, #tpu.memory_space<vmem>>, %arg7: memref<!tpu.dma_semaphore, #tpu.memory_space<semaphore_mem>>) attributes {dimension_semantics = [#tpu.dimension_semantics<core_parallel>, #tpu.dimension_semantics<subcore_parallel>], iteration_bounds = array<i64: 2, 16>, scalar_prefetch = 0 : i64, scratch_operands = 3 : i64, tpu.core_type = #tpu.core_type<sc_vector_subcore>, window_params = [{transform_indices = #map}, {transform_indices = #map1}, {transform_indices = #map}]} {
    %mul3A = arith.constant 2 : i32
    %mul3A_0 = arith.muli %arg1, %mul3A : i32
    %add3A = arith.addi %mul3A_0, %arg0 : i32
    %mul3A_1 = arith.constant 64 : i32
    %mul3A_2 = arith.muli %add3A, %mul3A_1 : i32
    "tpu.region"() ({
      %run_scoped3A = tpu.sem_alloc : memref<!tpu.dma_semaphore, #tpu.memory_space<semaphore_mem>>
      %dma_start3A_7 = tpu.memref_slice %arg3[%mul3A_2] : memref<2048xi32, #tpu.memory_space<hbm>> -> memref<64xi32, #tpu.memory_space<hbm>>
      %dma_start3A_8 = tpu.memref_slice %arg3[%mul3A_2] : memref<2048xi32, #tpu.memory_space<hbm>> -> memref<64xi32, #tpu.memory_space<hbm>>
      tpu.enqueue_dma source(%dma_start3A_8 : memref<64xi32, #tpu.memory_space<hbm>>) target(%arg5 : memref<64xi32, #tpu.memory_space<vmem>>) target_semaphore(%run_scoped3A : memref<!tpu.dma_semaphore, #tpu.memory_space<semaphore_mem>>)
      %dma_wait3A_9 = tpu.memref_slice %arg3[%mul3A_2] : memref<2048xi32, #tpu.memory_space<hbm>> -> memref<64xi32, #tpu.memory_space<hbm>>
      %dma_wait3A_10 = tpu.memref_slice %arg3[%mul3A_2] : memref<2048xi32, #tpu.memory_space<hbm>> -> memref<64xi32, #tpu.memory_space<hbm>>
      tpu.wait_dma2 semaphore(%run_scoped3A : memref<!tpu.dma_semaphore, #tpu.memory_space<semaphore_mem>>) src(%dma_wait3A_10 : memref<64xi32, #tpu.memory_space<hbm>>) dst(%arg5 : memref<64xi32, #tpu.memory_space<vmem>>)
      tpu.yield
    }) : () -> ()
    %dma_start3A = arith.constant 0 : i32
    %dma_start3A_3 = arith.constant 0 : i32
    %dma_start3A_4 = tpu.memref_slice %arg2[%dma_start3A, %dma_start3A_3] : memref<3072x768xf32, #tpu.memory_space<hbm>> -> memref<3072x768xf32, #tpu.memory_space<hbm>>
    tpu.enqueue_indirect_dma source(%dma_start3A_4 : memref<3072x768xf32, #tpu.memory_space<hbm>>) target(%arg6 : memref<64x768xf32, #tpu.memory_space<vmem>>) offsets(%arg5 : memref<64xi32, #tpu.memory_space<vmem>>) semaphore(%arg7 : memref<!tpu.dma_semaphore, #tpu.memory_space<semaphore_mem>>)
    %dma_wait3A = arith.constant 0 : i32
    %dma_wait3A_5 = arith.constant 0 : i32
    %dma_wait3A_6 = tpu.memref_slice %arg2[%dma_wait3A, %dma_wait3A_5] : memref<3072x768xf32, #tpu.memory_space<hbm>> -> memref<3072x768xf32, #tpu.memory_space<hbm>>
    tpu.wait_indirect_dma semaphore(%arg7 : memref<!tpu.dma_semaphore, #tpu.memory_space<semaphore_mem>>) src(%dma_wait3A_6 : memref<3072x768xf32, #tpu.memory_space<hbm>>) dst(%arg6 : memref<64x768xf32, #tpu.memory_space<vmem>>)
    "tpu.region"() ({
      %run_scoped3A = tpu.sem_alloc : memref<!tpu.dma_semaphore, #tpu.memory_space<semaphore_mem>>
      %dma_start3A_7 = arith.constant 0 : i32
      %dma_start3A_8 = tpu.memref_slice %arg4[%mul3A_2, %dma_start3A_7] : memref<2048x768xf32, #tpu.memory_space<hbm>> -> memref<64x768xf32, #tpu.memory_space<hbm>>
      %dma_start3A_9 = arith.constant 0 : i32
      %dma_start3A_10 = tpu.memref_slice %arg4[%mul3A_2, %dma_start3A_9] : memref<2048x768xf32, #tpu.memory_space<hbm>> -> memref<64x768xf32, #tpu.memory_space<hbm>>
      tpu.enqueue_dma source(%arg6 : memref<64x768xf32, #tpu.memory_space<vmem>>) target(%dma_start3A_10 : memref<64x768xf32, #tpu.memory_space<hbm>>) target_semaphore(%run_scoped3A : memref<!tpu.dma_semaphore, #tpu.memory_space<semaphore_mem>>)
      %dma_wait3A_11 = arith.constant 0 : i32
      %dma_wait3A_12 = tpu.memref_slice %arg4[%mul3A_2, %dma_wait3A_11] : memref<2048x768xf32, #tpu.memory_space<hbm>> -> memref<64x768xf32, #tpu.memory_space<hbm>>
      %dma_wait3A_13 = arith.constant 0 : i32
      %dma_wait3A_14 = tpu.memref_slice %arg4[%mul3A_2, %dma_wait3A_13] : memref<2048x768xf32, #tpu.memory_space<hbm>> -> memref<64x768xf32, #tpu.memory_space<hbm>>
      tpu.wait_dma2 semaphore(%run_scoped3A : memref<!tpu.dma_semaphore, #tpu.memory_space<semaphore_mem>>) src(%arg6 : memref<64x768xf32, #tpu.memory_space<vmem>>) dst(%dma_wait3A_14 : memref<64x768xf32, #tpu.memory_space<hbm>>)
      tpu.yield
    }) : () -> ()
    return
  }
}

module attributes {stable_mosaic.version = 14 : i64} {
  func.func @_embed_qkv_body(%arg0: memref<1024x128xf32, #tpu.memory_space<vmem>>, %arg1: memref<128x768xf32, #tpu.memory_space<vmem>>, %arg2: memref<768x768xf32, #tpu.memory_space<vmem>>, %arg3: memref<1x768xf32, #tpu.memory_space<vmem>>, %arg4: memref<768x768xf32, #tpu.memory_space<vmem>>, %arg5: memref<1x768xf32, #tpu.memory_space<vmem>>, %arg6: memref<768x768xf32, #tpu.memory_space<vmem>>, %arg7: memref<1x768xf32, #tpu.memory_space<vmem>>, %arg8: memref<1024x768xf32, #tpu.memory_space<vmem>>, %arg9: memref<1024x768xf32, #tpu.memory_space<vmem>>, %arg10: memref<1024x768xf32, #tpu.memory_space<vmem>>, %arg11: memref<1024x768xf32, #tpu.memory_space<vmem>>) attributes {dimension_semantics = [], scalar_prefetch = 0 : i64, scratch_operands = 0 : i64, tpu.core_type = #tpu.core_type<tc>} {
    %get3A = arith.constant 0 : index
    %get3A_0 = arith.constant 0 : index
    %get3A_1 = vector.load %arg0[%get3A, %get3A_0] : memref<1024x128xf32, #tpu.memory_space<vmem>>, vector<1024x128xf32>
    %get3A_2 = arith.constant 0 : index
    %get3A_3 = arith.constant 0 : index
    %get3A_4 = vector.load %arg1[%get3A_2, %get3A_3] : memref<128x768xf32, #tpu.memory_space<vmem>>, vector<128x768xf32>
    %dot_general3A = arith.constant dense<0.000000e+00> : vector<1024x768xf32>
    %dot_general3A_5 = tpu.matmul %get3A_1, %get3A_4, %dot_general3A {dimension_numbers = #tpu.dot_dimension_numbers<[1], [0], [0], [1], [0, 0, 1, 1], [], []>, transpose_lhs_hint = false} : vector<1024x128xf32>, vector<128x768xf32>, vector<1024x768xf32> -> vector<1024x768xf32>
    %swap3A = arith.constant 0 : index
    %swap3A_6 = arith.constant 0 : index
    %swap3A_7 = vector.load %arg8[%swap3A, %swap3A_6] : memref<1024x768xf32, #tpu.memory_space<vmem>>, vector<1024x768xf32>
    tpu.vector_store %arg8[%swap3A, %swap3A_6], %dot_general3A_5 {strides = array<i32>} : memref<1024x768xf32, #tpu.memory_space<vmem>>, vector<1024x768xf32>,
    %get3A_8 = arith.constant 0 : index
    %get3A_9 = arith.constant 0 : index
    %get3A_10 = vector.load %arg2[%get3A_8, %get3A_9] : memref<768x768xf32, #tpu.memory_space<vmem>>, vector<768x768xf32>
    %dot_general3A_11 = arith.constant dense<0.000000e+00> : vector<1024x768xf32>
    %dot_general3A_12 = tpu.matmul %dot_general3A_5, %get3A_10, %dot_general3A_11 {dimension_numbers = #tpu.dot_dimension_numbers<[1], [0], [0], [1], [0, 0, 1, 1], [], []>, transpose_lhs_hint = false} : vector<1024x768xf32>, vector<768x768xf32>, vector<1024x768xf32> -> vector<1024x768xf32>
    %get3A_13 = arith.constant 0 : index
    %get3A_14 = arith.constant 0 : index
    %get3A_15 = vector.load %arg3[%get3A_13, %get3A_14] : memref<1x768xf32, #tpu.memory_space<vmem>>, vector<1x768xf32>
    %add3A = vector.broadcast %get3A_15 : vector<1x768xf32> to vector<1024x768xf32>
    %add3A_16 = arith.addf %dot_general3A_12, %add3A : vector<1024x768xf32>
    %mul3A = arith.constant 0.353553385 : f32
    %mul3A_17 = vector.broadcast %mul3A : f32 to vector<1024x768xf32>
    %mul3A_18 = arith.mulf %add3A_16, %mul3A_17 : vector<1024x768xf32>
    %swap3A_19 = arith.constant 0 : index
    %swap3A_20 = arith.constant 0 : index
    %swap3A_21 = vector.load %arg9[%swap3A_19, %swap3A_20] : memref<1024x768xf32, #tpu.memory_space<vmem>>, vector<1024x768xf32>
    tpu.vector_store %arg9[%swap3A_19, %swap3A_20], %mul3A_18 {strides = array<i32>} : memref<1024x768xf32, #tpu.memory_space<vmem>>, vector<1024x768xf32>,
    %get3A_22 = arith.constant 0 : index
    %get3A_23 = arith.constant 0 : index
    %get3A_24 = vector.load %arg4[%get3A_22, %get3A_23] : memref<768x768xf32, #tpu.memory_space<vmem>>, vector<768x768xf32>
    %dot_general3A_25 = arith.constant dense<0.000000e+00> : vector<1024x768xf32>
    %dot_general3A_26 = tpu.matmul %dot_general3A_5, %get3A_24, %dot_general3A_25 {dimension_numbers = #tpu.dot_dimension_numbers<[1], [0], [0], [1], [0, 0, 1, 1], [], []>, transpose_lhs_hint = false} : vector<1024x768xf32>, vector<768x768xf32>, vector<1024x768xf32> -> vector<1024x768xf32>
    %get3A_27 = arith.constant 0 : index
    %get3A_28 = arith.constant 0 : index
    %get3A_29 = vector.load %arg5[%get3A_27, %get3A_28] : memref<1x768xf32, #tpu.memory_space<vmem>>, vector<1x768xf32>
    %add3A_30 = vector.broadcast %get3A_29 : vector<1x768xf32> to vector<1024x768xf32>
    %add3A_31 = arith.addf %dot_general3A_26, %add3A_30 : vector<1024x768xf32>
    %mul3A_32 = arith.constant 0.353553385 : f32
    %mul3A_33 = vector.broadcast %mul3A_32 : f32 to vector<1024x768xf32>
    %mul3A_34 = arith.mulf %add3A_31, %mul3A_33 : vector<1024x768xf32>
    %swap3A_35 = arith.constant 0 : index
    %swap3A_36 = arith.constant 0 : index
    %swap3A_37 = vector.load %arg10[%swap3A_35, %swap3A_36] : memref<1024x768xf32, #tpu.memory_space<vmem>>, vector<1024x768xf32>
    tpu.vector_store %arg10[%swap3A_35, %swap3A_36], %mul3A_34 {strides = array<i32>} : memref<1024x768xf32, #tpu.memory_space<vmem>>, vector<1024x768xf32>,
    %get3A_38 = arith.constant 0 : index
    %get3A_39 = arith.constant 0 : index
    %get3A_40 = vector.load %arg6[%get3A_38, %get3A_39] : memref<768x768xf32, #tpu.memory_space<vmem>>, vector<768x768xf32>
    %dot_general3A_41 = arith.constant dense<0.000000e+00> : vector<1024x768xf32>
    %dot_general3A_42 = tpu.matmul %dot_general3A_5, %get3A_40, %dot_general3A_41 {dimension_numbers = #tpu.dot_dimension_numbers<[1], [0], [0], [1], [0, 0, 1, 1], [], []>, transpose_lhs_hint = false} : vector<1024x768xf32>, vector<768x768xf32>, vector<1024x768xf32> -> vector<1024x768xf32>
    %get3A_43 = arith.constant 0 : index
    %get3A_44 = arith.constant 0 : index
    %get3A_45 = vector.load %arg7[%get3A_43, %get3A_44] : memref<1x768xf32, #tpu.memory_space<vmem>>, vector<1x768xf32>
    %add3A_46 = vector.broadcast %get3A_45 : vector<1x768xf32> to vector<1024x768xf32>
    %add3A_47 = arith.addf %dot_general3A_42, %add3A_46 : vector<1024x768xf32>
    %swap3A_48 = arith.constant 0 : index
    %swap3A_49 = arith.constant 0 : index
    %swap3A_50 = vector.load %arg11[%swap3A_48, %swap3A_49] : memref<1024x768xf32, #tpu.memory_space<vmem>>, vector<1024x768xf32>
    tpu.vector_store %arg11[%swap3A_48, %swap3A_49], %add3A_47 {strides = array<i32>} : memref<1024x768xf32, #tpu.memory_space<vmem>>, vector<1024x768xf32>,
    return
  }
}

module attributes {stable_mosaic.version = 14 : i64} {
  func.func @_performer_body(%arg0: i32, %arg1: i32, %arg2: memref<1x512x128xf32, #tpu.memory_space<vmem>>, %arg3: memref<1x512x128xf32, #tpu.memory_space<vmem>>, %arg4: memref<1x512x128xf32, #tpu.memory_space<vmem>>, %arg5: memref<384x64xf32, #tpu.memory_space<vmem>>, %arg6: memref<1x512x128xf32, #tpu.memory_space<vmem>>) attributes {dimension_semantics = [#tpu.dimension_semantics<arbitrary>, #tpu.dimension_semantics<arbitrary>], iteration_bounds = array<i64: 2, 6>, scalar_prefetch = 0 : i64, scratch_operands = 0 : i64, tpu.core_type = #tpu.core_type<tc>, window_params = [{transform_indices = @transform_0, window_bounds = array<i64: 1, 512, 128>}, {transform_indices = @transform_1, window_bounds = array<i64: 1, 512, 128>}, {transform_indices = @transform_2, window_bounds = array<i64: 1, 512, 128>}, {pipeline_mode = #tpu.pipeline_mode<synchronous>, transform_indices = @transform_3, window_bounds = array<i64: 384, 64>}, {transform_indices = @transform_4, window_bounds = array<i64: 1, 512, 128>}]} {
    %get3A = arith.constant 0 : index
    %get3A_0 = arith.constant 0 : index
    %get3A_1 = vector.load %arg5[%get3A, %get3A_0] : memref<384x64xf32, #tpu.memory_space<vmem>>, vector<384x64xf32>
    %get3A_2 = arith.constant 0 : index
    %get3A_3 = arith.constant 0 : index
    %get3A_4 = arith.constant 0 : index
    %get3A_5 = vector.load %arg2[%get3A_2, %get3A_3, %get3A_4] : memref<1x512x128xf32, #tpu.memory_space<vmem>>, vector<1x512x128xf32>
    %get3A_6 = vector.shape_cast %get3A_5 : vector<1x512x128xf32> to vector<512x128xf32>
    %slice3A = vector.extract_strided_slice %get3A_6 {offsets = [0, 0], sizes = [512, 64], strides = [1, 1]} : vector<512x128xf32> to vector<512x64xf32>
    %get3A_7 = arith.constant 0 : index
    %get3A_8 = arith.constant 0 : index
    %get3A_9 = arith.constant 0 : index
    %get3A_10 = vector.load %arg3[%get3A_7, %get3A_8, %get3A_9] : memref<1x512x128xf32, #tpu.memory_space<vmem>>, vector<1x512x128xf32>
    %get3A_11 = vector.shape_cast %get3A_10 : vector<1x512x128xf32> to vector<512x128xf32>
    %slice3A_12 = vector.extract_strided_slice %get3A_11 {offsets = [0, 0], sizes = [512, 64], strides = [1, 1]} : vector<512x128xf32> to vector<512x64xf32>
    %get3A_13 = arith.constant 0 : index
    %get3A_14 = arith.constant 0 : index
    %get3A_15 = arith.constant 0 : index
    %get3A_16 = vector.load %arg4[%get3A_13, %get3A_14, %get3A_15] : memref<1x512x128xf32, #tpu.memory_space<vmem>>, vector<1x512x128xf32>
    %get3A_17 = vector.shape_cast %get3A_16 : vector<1x512x128xf32> to vector<512x128xf32>
    %slice3A_18 = vector.extract_strided_slice %get3A_17 {offsets = [0, 0], sizes = [512, 64], strides = [1, 1]} : vector<512x128xf32> to vector<512x64xf32>
    %dot_general3A = arith.constant dense<0.000000e+00> : vector<512x384xf32>
    %dot_general3A_19 = tpu.matmul %slice3A, %get3A_1, %dot_general3A {dimension_numbers = #tpu.dot_dimension_numbers<[1], [1], [0], [0], [0, 0, 1, 0], [], []>, transpose_lhs_hint = false} : vector<512x64xf32>, vector<384x64xf32>, vector<512x384xf32> -> vector<512x384xf32>
    %dot_general3A_20 = arith.constant dense<0.000000e+00> : vector<512x384xf32>
    %dot_general3A_21 = tpu.matmul %slice3A_12, %get3A_1, %dot_general3A_20 {dimension_numbers = #tpu.dot_dimension_numbers<[1], [1], [0], [0], [0, 0, 1, 0], [], []>, transpose_lhs_hint = false} : vector<512x64xf32>, vector<384x64xf32>, vector<512x384xf32> -> vector<512x384xf32>
    %iota3A = tpu.iota {dimensions = array<i32: 1>} : vector<512x384xi32>
    %lt3A = arith.constant 266 : i32
    %lt3A_22 = vector.broadcast %lt3A : i32 to vector<512x384xi32>
    %lt3A_23 = arith.cmpi slt, %iota3A, %lt3A_22 : vector<512x384xi32>
    %mul3A = arith.mulf %slice3A, %slice3A : vector<512x64xf32>
    %reduce_sum3A = arith.constant dense<0.000000e+00> : vector<512xf32>
    %reduce_sum3A_24 = vector.multi_reduction <add>, %mul3A, %reduce_sum3A [1] : vector<512x64xf32> to vector<512xf32>
    %broadcast_in_dim3A = vector.shape_cast %reduce_sum3A_24 : vector<512xf32> to vector<512x1xf32>
    %mul3A_25 = arith.constant 5.000000e-01 : f32
    %mul3A_26 = vector.broadcast %mul3A_25 : f32 to vector<512x1xf32>
    %mul3A_27 = arith.mulf %mul3A_26, %broadcast_in_dim3A : vector<512x1xf32>
    %mul3A_28 = arith.mulf %slice3A_12, %slice3A_12 : vector<512x64xf32>
    %reduce_sum3A_29 = arith.constant dense<0.000000e+00> : vector<512xf32>
    %reduce_sum3A_30 = vector.multi_reduction <add>, %mul3A_28, %reduce_sum3A_29 [1] : vector<512x64xf32> to vector<512xf32>
    %broadcast_in_dim3A_31 = vector.shape_cast %reduce_sum3A_30 : vector<512xf32> to vector<512x1xf32>
    %mul3A_32 = arith.constant 5.000000e-01 : f32
    %mul3A_33 = vector.broadcast %mul3A_32 : f32 to vector<512x1xf32>
    %mul3A_34 = arith.mulf %mul3A_33, %broadcast_in_dim3A_31 : vector<512x1xf32>
    %reduce_max3A = arith.constant dense<0xFF800000> : vector<512xf32>
    %reduce_max3A_35 = vector.multi_reduction <maximumf>, %dot_general3A_19, %reduce_max3A [1] : vector<512x384xf32> to vector<512xf32>
    %broadcast_in_dim3A_36 = vector.shape_cast %reduce_max3A_35 : vector<512xf32> to vector<512x1xf32>
    %reduce_max3A_37 = vector.shape_cast %dot_general3A_21 : vector<512x384xf32> to vector<1x512x384xf32>
    %reduce_max3A_38 = arith.constant dense<0xFF800000> : vector<1xf32>
    %reduce_max3A_39 = vector.multi_reduction <maximumf>, %reduce_max3A_37, %reduce_max3A_38 [1, 2] : vector<1x512x384xf32> to vector<1xf32>
    %reduce_max3A_40 = vector.shape_cast %reduce_max3A_39 : vector<1xf32> to vector<1x1x1xf32>
    %reduce_max3A_41 = vector.extract %reduce_max3A_40[0, 0, 0] : f32 from vector<1x1x1xf32>
    %add3A = arith.addf %mul3A_27, %broadcast_in_dim3A_36 : vector<512x1xf32>
    %sub3A = vector.broadcast %add3A : vector<512x1xf32> to vector<512x384xf32>
    %sub3A_42 = arith.subf %dot_general3A_19, %sub3A : vector<512x384xf32>
    %exp3A = math.exp %sub3A_42 : vector<512x384xf32>
    %mul3A_43 = arith.constant 0.0613139346 : f32
    %mul3A_44 = vector.broadcast %mul3A_43 : f32 to vector<512x384xf32>
    %mul3A_45 = arith.mulf %exp3A, %mul3A_44 : vector<512x384xf32>
    %add3A_46 = arith.constant 9.99999997E-7 : f32
    %add3A_47 = vector.broadcast %add3A_46 : f32 to vector<512x384xf32>
    %add3A_48 = arith.addf %mul3A_45, %add3A_47 : vector<512x384xf32>
    %add3A_49 = vector.broadcast %reduce_max3A_41 : f32 to vector<512x1xf32>
    %add3A_50 = arith.addf %mul3A_34, %add3A_49 : vector<512x1xf32>
    %sub3A_51 = vector.broadcast %add3A_50 : vector<512x1xf32> to vector<512x384xf32>
    %sub3A_52 = arith.subf %dot_general3A_21, %sub3A_51 : vector<512x384xf32>
    %exp3A_53 = math.exp %sub3A_52 : vector<512x384xf32>
    %mul3A_54 = arith.constant 0.0613139346 : f32
    %mul3A_55 = vector.broadcast %mul3A_54 : f32 to vector<512x384xf32>
    %mul3A_56 = arith.mulf %exp3A_53, %mul3A_55 : vector<512x384xf32>
    %add3A_57 = arith.constant 9.99999997E-7 : f32
    %add3A_58 = vector.broadcast %add3A_57 : f32 to vector<512x384xf32>
    %add3A_59 = arith.addf %mul3A_56, %add3A_58 : vector<512x384xf32>
    %jit3A = arith.constant 0.000000e+00 : f32
    %broadcast_in_dim3A_60 = vector.broadcast %jit3A : f32 to vector<512x384xf32>
    %select_n3A = arith.select %lt3A_23, %add3A_59, %broadcast_in_dim3A_60 : vector<512x384xi1>, vector<512x384xf32>
    %dot_general3A_61 = arith.constant dense<0.000000e+00> : vector<384x64xf32>
    %dot_general3A_62 = tpu.matmul %select_n3A, %slice3A_18, %dot_general3A_61 {dimension_numbers = #tpu.dot_dimension_numbers<[0], [0], [1], [1], [0, 1, 1, 1], [], []>, transpose_lhs_hint = false} : vector<512x384xf32>, vector<512x64xf32>, vector<384x64xf32> -> vector<384x64xf32>
    %reduce_sum3A_63 = arith.constant dense<0.000000e+00> : vector<384xf32>
    %reduce_sum3A_64 = vector.multi_reduction <add>, %select_n3A, %reduce_sum3A_63 [0] : vector<512x384xf32> to vector<384xf32>
    %broadcast_in_dim3A_65 = vector.shape_cast %reduce_sum3A_64 : vector<384xf32> to vector<1x384xf32>
    %dot_general3A_66 = arith.constant dense<0.000000e+00> : vector<512x1xf32>
    %dot_general3A_67 = tpu.matmul %add3A_48, %broadcast_in_dim3A_65, %dot_general3A_66 {dimension_numbers = #tpu.dot_dimension_numbers<[1], [1], [0], [0], [0, 0, 1, 0], [], []>, transpose_lhs_hint = false} : vector<512x384xf32>, vector<1x384xf32>, vector<512x1xf32> -> vector<512x1xf32>
    %dot_general3A_68 = arith.constant dense<0.000000e+00> : vector<512x64xf32>
    %dot_general3A_69 = tpu.matmul %add3A_48, %dot_general3A_62, %dot_general3A_68 {dimension_numbers = #tpu.dot_dimension_numbers<[1], [0], [0], [1], [0, 0, 1, 1], [], []>, transpose_lhs_hint = false} : vector<512x384xf32>, vector<384x64xf32>, vector<512x64xf32> -> vector<512x64xf32>
    %div3A = vector.broadcast %dot_general3A_67 : vector<512x1xf32> to vector<512x64xf32>
    %div3A_70 = arith.divf %dot_general3A_69, %div3A : vector<512x64xf32>
    %get3A_71 = arith.constant 0 : index
    %get3A_72 = arith.constant 0 : index
    %get3A_73 = arith.constant 0 : index
    %get3A_74 = vector.load %arg2[%get3A_71, %get3A_72, %get3A_73] : memref<1x512x128xf32, #tpu.memory_space<vmem>>, vector<1x512x128xf32>
    %get3A_75 = vector.shape_cast %get3A_74 : vector<1x512x128xf32> to vector<512x128xf32>
    %slice3A_76 = vector.extract_strided_slice %get3A_75 {offsets = [0, 64], sizes = [512, 64], strides = [1, 1]} : vector<512x128xf32> to vector<512x64xf32>
    %get3A_77 = arith.constant 0 : index
    %get3A_78 = arith.constant 0 : index
    %get3A_79 = arith.constant 0 : index
    %get3A_80 = vector.load %arg3[%get3A_77, %get3A_78, %get3A_79] : memref<1x512x128xf32, #tpu.memory_space<vmem>>, vector<1x512x128xf32>
    %get3A_81 = vector.shape_cast %get3A_80 : vector<1x512x128xf32> to vector<512x128xf32>
    %slice3A_82 = vector.extract_strided_slice %get3A_81 {offsets = [0, 64], sizes = [512, 64], strides = [1, 1]} : vector<512x128xf32> to vector<512x64xf32>
    %get3A_83 = arith.constant 0 : index
    %get3A_84 = arith.constant 0 : index
    %get3A_85 = arith.constant 0 : index
    %get3A_86 = vector.load %arg4[%get3A_83, %get3A_84, %get3A_85] : memref<1x512x128xf32, #tpu.memory_space<vmem>>, vector<1x512x128xf32>
    %get3A_87 = vector.shape_cast %get3A_86 : vector<1x512x128xf32> to vector<512x128xf32>
    %slice3A_88 = vector.extract_strided_slice %get3A_87 {offsets = [0, 64], sizes = [512, 64], strides = [1, 1]} : vector<512x128xf32> to vector<512x64xf32>
    %dot_general3A_89 = arith.constant dense<0.000000e+00> : vector<512x384xf32>
    %dot_general3A_90 = tpu.matmul %slice3A_76, %get3A_1, %dot_general3A_89 {dimension_numbers = #tpu.dot_dimension_numbers<[1], [1], [0], [0], [0, 0, 1, 0], [], []>, transpose_lhs_hint = false} : vector<512x64xf32>, vector<384x64xf32>, vector<512x384xf32> -> vector<512x384xf32>
    %dot_general3A_91 = arith.constant dense<0.000000e+00> : vector<512x384xf32>
    %dot_general3A_92 = tpu.matmul %slice3A_82, %get3A_1, %dot_general3A_91 {dimension_numbers = #tpu.dot_dimension_numbers<[1], [1], [0], [0], [0, 0, 1, 0], [], []>, transpose_lhs_hint = false} : vector<512x64xf32>, vector<384x64xf32>, vector<512x384xf32> -> vector<512x384xf32>
    %iota3A_93 = tpu.iota {dimensions = array<i32: 1>} : vector<512x384xi32>
    %lt3A_94 = arith.constant 266 : i32
    %lt3A_95 = vector.broadcast %lt3A_94 : i32 to vector<512x384xi32>
    %lt3A_96 = arith.cmpi slt, %iota3A_93, %lt3A_95 : vector<512x384xi32>
    %mul3A_97 = arith.mulf %slice3A_76, %slice3A_76 : vector<512x64xf32>
    %reduce_sum3A_98 = arith.constant dense<0.000000e+00> : vector<512xf32>
    %reduce_sum3A_99 = vector.multi_reduction <add>, %mul3A_97, %reduce_sum3A_98 [1] : vector<512x64xf32> to vector<512xf32>
    %broadcast_in_dim3A_100 = vector.shape_cast %reduce_sum3A_99 : vector<512xf32> to vector<512x1xf32>
    %mul3A_101 = arith.constant 5.000000e-01 : f32
    %mul3A_102 = vector.broadcast %mul3A_101 : f32 to vector<512x1xf32>
    %mul3A_103 = arith.mulf %mul3A_102, %broadcast_in_dim3A_100 : vector<512x1xf32>
    %mul3A_104 = arith.mulf %slice3A_82, %slice3A_82 : vector<512x64xf32>
    %reduce_sum3A_105 = arith.constant dense<0.000000e+00> : vector<512xf32>
    %reduce_sum3A_106 = vector.multi_reduction <add>, %mul3A_104, %reduce_sum3A_105 [1] : vector<512x64xf32> to vector<512xf32>
    %broadcast_in_dim3A_107 = vector.shape_cast %reduce_sum3A_106 : vector<512xf32> to vector<512x1xf32>
    %mul3A_108 = arith.constant 5.000000e-01 : f32
    %mul3A_109 = vector.broadcast %mul3A_108 : f32 to vector<512x1xf32>
    %mul3A_110 = arith.mulf %mul3A_109, %broadcast_in_dim3A_107 : vector<512x1xf32>
    %reduce_max3A_111 = arith.constant dense<0xFF800000> : vector<512xf32>
    %reduce_max3A_112 = vector.multi_reduction <maximumf>, %dot_general3A_90, %reduce_max3A_111 [1] : vector<512x384xf32> to vector<512xf32>
    %broadcast_in_dim3A_113 = vector.shape_cast %reduce_max3A_112 : vector<512xf32> to vector<512x1xf32>
    %reduce_max3A_114 = vector.shape_cast %dot_general3A_92 : vector<512x384xf32> to vector<1x512x384xf32>
    %reduce_max3A_115 = arith.constant dense<0xFF800000> : vector<1xf32>
    %reduce_max3A_116 = vector.multi_reduction <maximumf>, %reduce_max3A_114, %reduce_max3A_115 [1, 2] : vector<1x512x384xf32> to vector<1xf32>
    %reduce_max3A_117 = vector.shape_cast %reduce_max3A_116 : vector<1xf32> to vector<1x1x1xf32>
    %reduce_max3A_118 = vector.extract %reduce_max3A_117[0, 0, 0] : f32 from vector<1x1x1xf32>
    %add3A_119 = arith.addf %mul3A_103, %broadcast_in_dim3A_113 : vector<512x1xf32>
    %sub3A_120 = vector.broadcast %add3A_119 : vector<512x1xf32> to vector<512x384xf32>
    %sub3A_121 = arith.subf %dot_general3A_90, %sub3A_120 : vector<512x384xf32>
    %exp3A_122 = math.exp %sub3A_121 : vector<512x384xf32>
    %mul3A_123 = arith.constant 0.0613139346 : f32
    %mul3A_124 = vector.broadcast %mul3A_123 : f32 to vector<512x384xf32>
    %mul3A_125 = arith.mulf %exp3A_122, %mul3A_124 : vector<512x384xf32>
    %add3A_126 = arith.constant 9.99999997E-7 : f32
    %add3A_127 = vector.broadcast %add3A_126 : f32 to vector<512x384xf32>
    %add3A_128 = arith.addf %mul3A_125, %add3A_127 : vector<512x384xf32>
    %add3A_129 = vector.broadcast %reduce_max3A_118 : f32 to vector<512x1xf32>
    %add3A_130 = arith.addf %mul3A_110, %add3A_129 : vector<512x1xf32>
    %sub3A_131 = vector.broadcast %add3A_130 : vector<512x1xf32> to vector<512x384xf32>
    %sub3A_132 = arith.subf %dot_general3A_92, %sub3A_131 : vector<512x384xf32>
    %exp3A_133 = math.exp %sub3A_132 : vector<512x384xf32>
    %mul3A_134 = arith.constant 0.0613139346 : f32
    %mul3A_135 = vector.broadcast %mul3A_134 : f32 to vector<512x384xf32>
    %mul3A_136 = arith.mulf %exp3A_133, %mul3A_135 : vector<512x384xf32>
    %add3A_137 = arith.constant 9.99999997E-7 : f32
    %add3A_138 = vector.broadcast %add3A_137 : f32 to vector<512x384xf32>
    %add3A_139 = arith.addf %mul3A_136, %add3A_138 : vector<512x384xf32>
    %jit3A_140 = arith.constant 0.000000e+00 : f32
    %broadcast_in_dim3A_141 = vector.broadcast %jit3A_140 : f32 to vector<512x384xf32>
    %select_n3A_142 = arith.select %lt3A_96, %add3A_139, %broadcast_in_dim3A_141 : vector<512x384xi1>, vector<512x384xf32>
    %dot_general3A_143 = arith.constant dense<0.000000e+00> : vector<384x64xf32>
    %dot_general3A_144 = tpu.matmul %select_n3A_142, %slice3A_88, %dot_general3A_143 {dimension_numbers = #tpu.dot_dimension_numbers<[0], [0], [1], [1], [0, 1, 1, 1], [], []>, transpose_lhs_hint = false} : vector<512x384xf32>, vector<512x64xf32>, vector<384x64xf32> -> vector<384x64xf32>
    %reduce_sum3A_145 = arith.constant dense<0.000000e+00> : vector<384xf32>
    %reduce_sum3A_146 = vector.multi_reduction <add>, %select_n3A_142, %reduce_sum3A_145 [0] : vector<512x384xf32> to vector<384xf32>
    %broadcast_in_dim3A_147 = vector.shape_cast %reduce_sum3A_146 : vector<384xf32> to vector<1x384xf32>
    %dot_general3A_148 = arith.constant dense<0.000000e+00> : vector<512x1xf32>
    %dot_general3A_149 = tpu.matmul %add3A_128, %broadcast_in_dim3A_147, %dot_general3A_148 {dimension_numbers = #tpu.dot_dimension_numbers<[1], [1], [0], [0], [0, 0, 1, 0], [], []>, transpose_lhs_hint = false} : vector<512x384xf32>, vector<1x384xf32>, vector<512x1xf32> -> vector<512x1xf32>
    %dot_general3A_150 = arith.constant dense<0.000000e+00> : vector<512x64xf32>
    %dot_general3A_151 = tpu.matmul %add3A_128, %dot_general3A_144, %dot_general3A_150 {dimension_numbers = #tpu.dot_dimension_numbers<[1], [0], [0], [1], [0, 0, 1, 1], [], []>, transpose_lhs_hint = false} : vector<512x384xf32>, vector<384x64xf32>, vector<512x64xf32> -> vector<512x64xf32>
    %div3A_152 = vector.broadcast %dot_general3A_149 : vector<512x1xf32> to vector<512x64xf32>
    %div3A_153 = arith.divf %dot_general3A_151, %div3A_152 : vector<512x64xf32>
    %concatenate3A = tpu.concatenate %div3A_70, %div3A_153 in 1 : vector<512x64xf32>, vector<512x64xf32> -> vector<512x128xf32>
    %swap3A = arith.constant 0 : index
    %swap3A_154 = arith.constant 0 : index
    %swap3A_155 = arith.constant 0 : index
    %swap3A_156 = vector.load %arg6[%swap3A, %swap3A_154, %swap3A_155] : memref<1x512x128xf32, #tpu.memory_space<vmem>>, vector<1x512x128xf32>
    %swap3A_157 = vector.shape_cast %swap3A_156 : vector<1x512x128xf32> to vector<512x128xf32>
    %swap3A_158 = vector.shape_cast %concatenate3A : vector<512x128xf32> to vector<1x512x128xf32>
    tpu.vector_store %arg6[%swap3A, %swap3A_154, %swap3A_155], %swap3A_158 {strides = array<i32>} : memref<1x512x128xf32, #tpu.memory_space<vmem>>, vector<1x512x128xf32>,
    return
  }
  func.func @transform_0(%arg0: i32, %arg1: i32) -> (i32, i32, i32) {
    %c0_i32 = arith.constant 0 : i32
    %c0_i32_0 = arith.constant 0 : i32
    return %arg0, %c0_i32, %arg1 : i32, i32, i32
  }
  func.func @transform_1(%arg0: i32, %arg1: i32) -> (i32, i32, i32) {
    %c0_i32 = arith.constant 0 : i32
    %c0_i32_0 = arith.constant 0 : i32
    return %arg0, %c0_i32, %arg1 : i32, i32, i32
  }
  func.func @transform_2(%arg0: i32, %arg1: i32) -> (i32, i32, i32) {
    %c0_i32 = arith.constant 0 : i32
    %c0_i32_0 = arith.constant 0 : i32
    return %arg0, %c0_i32, %arg1 : i32, i32, i32
  }
  func.func @transform_3(%arg0: i32, %arg1: i32) -> (i32, i32) {
    %c0_i32 = arith.constant 0 : i32
    %c0_i32_0 = arith.constant 0 : i32
    %c0_i32_1 = arith.constant 0 : i32
    return %c0_i32, %c0_i32_0 : i32, i32
  }
  func.func @transform_4(%arg0: i32, %arg1: i32) -> (i32, i32, i32) {
    %c0_i32 = arith.constant 0 : i32
    %c0_i32_0 = arith.constant 0 : i32
    return %arg0, %c0_i32, %arg1 : i32, i32, i32
  }
}

module attributes {stable_mosaic.version = 14 : i64} {
  func.func @_proj_router_body(%arg0: memref<1024x768xf32, #tpu.memory_space<vmem>>, %arg1: memref<768x768xf32, #tpu.memory_space<vmem>>, %arg2: memref<1x768xf32, #tpu.memory_space<vmem>>, %arg3: memref<1024x768xf32, #tpu.memory_space<vmem>>, %arg4: memref<1x768xf32, #tpu.memory_space<vmem>>, %arg5: memref<1x768xf32, #tpu.memory_space<vmem>>, %arg6: memref<768x128xf32, #tpu.memory_space<vmem>>, %arg7: memref<1x128xf32, #tpu.memory_space<vmem>>, %arg8: memref<1024x768xf32, #tpu.memory_space<vmem>>, %arg9: memref<1024x128xf32, #tpu.memory_space<vmem>>, %arg10: memref<1x3072xf32, #tpu.memory_space<vmem>>, %arg11: memref<1x128xf32, #tpu.memory_space<vmem>>) attributes {dimension_semantics = [], scalar_prefetch = 0 : i64, scratch_operands = 0 : i64, tpu.core_type = #tpu.core_type<tc>} {
    %get3A = arith.constant 0 : index
    %get3A_0 = arith.constant 0 : index
    %get3A_1 = vector.load %arg0[%get3A, %get3A_0] : memref<1024x768xf32, #tpu.memory_space<vmem>>, vector<1024x768xf32>
    %get3A_2 = arith.constant 0 : index
    %get3A_3 = arith.constant 0 : index
    %get3A_4 = vector.load %arg1[%get3A_2, %get3A_3] : memref<768x768xf32, #tpu.memory_space<vmem>>, vector<768x768xf32>
    %dot_general3A = arith.constant dense<0.000000e+00> : vector<1024x768xf32>
    %dot_general3A_5 = tpu.matmul %get3A_1, %get3A_4, %dot_general3A {dimension_numbers = #tpu.dot_dimension_numbers<[1], [0], [0], [1], [0, 0, 1, 1], [], []>, transpose_lhs_hint = false} : vector<1024x768xf32>, vector<768x768xf32>, vector<1024x768xf32> -> vector<1024x768xf32>
    %get3A_6 = arith.constant 0 : index
    %get3A_7 = arith.constant 0 : index
    %get3A_8 = vector.load %arg2[%get3A_6, %get3A_7] : memref<1x768xf32, #tpu.memory_space<vmem>>, vector<1x768xf32>
    %add3A = vector.broadcast %get3A_8 : vector<1x768xf32> to vector<1024x768xf32>
    %add3A_9 = arith.addf %dot_general3A_5, %add3A : vector<1024x768xf32>
    %get3A_10 = arith.constant 0 : index
    %get3A_11 = arith.constant 0 : index
    %get3A_12 = vector.load %arg3[%get3A_10, %get3A_11] : memref<1024x768xf32, #tpu.memory_space<vmem>>, vector<1024x768xf32>
    %add3A_13 = arith.addf %get3A_12, %add3A_9 : vector<1024x768xf32>
    %get3A_14 = arith.constant 0 : index
    %get3A_15 = arith.constant 0 : index
    %get3A_16 = vector.load %arg4[%get3A_14, %get3A_15] : memref<1x768xf32, #tpu.memory_space<vmem>>, vector<1x768xf32>
    %get3A_17 = arith.constant 0 : index
    %get3A_18 = arith.constant 0 : index
    %get3A_19 = vector.load %arg5[%get3A_17, %get3A_18] : memref<1x768xf32, #tpu.memory_space<vmem>>, vector<1x768xf32>
    %reduce_sum3A = arith.constant dense<0.000000e+00> : vector<1024xf32>
    %reduce_sum3A_20 = vector.multi_reduction <add>, %add3A_13, %reduce_sum3A [1] : vector<1024x768xf32> to vector<1024xf32>
    %broadcast_in_dim3A = vector.shape_cast %reduce_sum3A_20 : vector<1024xf32> to vector<1024x1xf32>
    %div3A = arith.constant 7.680000e+02 : f32
    %div3A_21 = vector.broadcast %div3A : f32 to vector<1024x1xf32>
    %div3A_22 = arith.divf %broadcast_in_dim3A, %div3A_21 : vector<1024x1xf32>
    %sub3A = vector.broadcast %div3A_22 : vector<1024x1xf32> to vector<1024x768xf32>
    %sub3A_23 = arith.subf %add3A_13, %sub3A : vector<1024x768xf32>
    %integer_pow3A = arith.mulf %sub3A_23, %sub3A_23 : vector<1024x768xf32>
    %reduce_sum3A_24 = arith.constant dense<0.000000e+00> : vector<1024xf32>
    %reduce_sum3A_25 = vector.multi_reduction <add>, %integer_pow3A, %reduce_sum3A_24 [1] : vector<1024x768xf32> to vector<1024xf32>
    %broadcast_in_dim3A_26 = vector.shape_cast %reduce_sum3A_25 : vector<1024xf32> to vector<1024x1xf32>
    %div3A_27 = arith.constant 7.680000e+02 : f32
    %div3A_28 = vector.broadcast %div3A_27 : f32 to vector<1024x1xf32>
    %div3A_29 = arith.divf %broadcast_in_dim3A_26, %div3A_28 : vector<1024x1xf32>
    %sub3A_30 = vector.broadcast %div3A_22 : vector<1024x1xf32> to vector<1024x768xf32>
    %sub3A_31 = arith.subf %add3A_13, %sub3A_30 : vector<1024x768xf32>
    %add3A_32 = arith.constant 9.99999974E-6 : f32
    %add3A_33 = vector.broadcast %add3A_32 : f32 to vector<1024x1xf32>
    %add3A_34 = arith.addf %div3A_29, %add3A_33 : vector<1024x1xf32>
    %sqrt3A = math.sqrt %add3A_34 : vector<1024x1xf32>
    %div3A_35 = vector.broadcast %sqrt3A : vector<1024x1xf32> to vector<1024x768xf32>
    %div3A_36 = arith.divf %sub3A_31, %div3A_35 : vector<1024x768xf32>
    %mul3A = vector.broadcast %get3A_16 : vector<1x768xf32> to vector<1024x768xf32>
    %mul3A_37 = arith.mulf %div3A_36, %mul3A : vector<1024x768xf32>
    %add3A_38 = vector.broadcast %get3A_19 : vector<1x768xf32> to vector<1024x768xf32>
    %add3A_39 = arith.addf %mul3A_37, %add3A_38 : vector<1024x768xf32>
    %swap3A = arith.constant 0 : index
    %swap3A_40 = arith.constant 0 : index
    %swap3A_41 = vector.load %arg8[%swap3A, %swap3A_40] : memref<1024x768xf32, #tpu.memory_space<vmem>>, vector<1024x768xf32>
    tpu.vector_store %arg8[%swap3A, %swap3A_40], %add3A_39 {strides = array<i32>} : memref<1024x768xf32, #tpu.memory_space<vmem>>, vector<1024x768xf32>,
    %get3A_42 = arith.constant 0 : index
    %get3A_43 = arith.constant 0 : index
    %get3A_44 = vector.load %arg6[%get3A_42, %get3A_43] : memref<768x128xf32, #tpu.memory_space<vmem>>, vector<768x128xf32>
    %dot_general3A_45 = arith.constant dense<0.000000e+00> : vector<1024x128xf32>
    %dot_general3A_46 = tpu.matmul %add3A_39, %get3A_44, %dot_general3A_45 {dimension_numbers = #tpu.dot_dimension_numbers<[1], [0], [0], [1], [0, 0, 1, 1], [], []>, transpose_lhs_hint = false} : vector<1024x768xf32>, vector<768x128xf32>, vector<1024x128xf32> -> vector<1024x128xf32>
    %get3A_47 = arith.constant 0 : index
    %get3A_48 = arith.constant 0 : index
    %get3A_49 = vector.load %arg7[%get3A_47, %get3A_48] : memref<1x128xf32, #tpu.memory_space<vmem>>, vector<1x128xf32>
    %add3A_50 = vector.broadcast %get3A_49 : vector<1x128xf32> to vector<1024x128xf32>
    %add3A_51 = arith.addf %dot_general3A_46, %add3A_50 : vector<1024x128xf32>
    %iota3A = tpu.iota {dimensions = array<i32: 1>} : vector<1024x128xi32>
    %lt3A = arith.constant 4 : i32
    %lt3A_52 = vector.broadcast %lt3A : i32 to vector<1024x128xi32>
    %lt3A_53 = arith.cmpi slt, %iota3A, %lt3A_52 : vector<1024x128xi32>
    %jit3A = arith.constant -1.000000e+30 : f32
    %broadcast_in_dim3A_54 = vector.broadcast %jit3A : f32 to vector<1024x128xf32>
    %select_n3A = arith.select %lt3A_53, %add3A_51, %broadcast_in_dim3A_54 : vector<1024x128xi1>, vector<1024x128xf32>
    %reduce_max3A = arith.constant dense<0xFF800000> : vector<1024xf32>
    %reduce_max3A_55 = vector.multi_reduction <maximumf>, %select_n3A, %reduce_max3A [1] : vector<1024x128xf32> to vector<1024xf32>
    %broadcast_in_dim3A_56 = vector.shape_cast %reduce_max3A_55 : vector<1024xf32> to vector<1024x1xf32>
    %eq3A = vector.broadcast %broadcast_in_dim3A_56 : vector<1024x1xf32> to vector<1024x128xf32>
    %eq3A_57 = arith.cmpf oeq, %select_n3A, %eq3A : vector<1024x128xf32>
    %jit3A_58 = arith.constant 1000000 : i32
    %broadcast_in_dim3A_59 = vector.broadcast %jit3A_58 : i32 to vector<1024x128xi32>
    %select_n3A_60 = arith.select %eq3A_57, %iota3A, %broadcast_in_dim3A_59 : vector<1024x128xi1>, vector<1024x128xi32>
    %reduce_min3A = arith.constant dense<2147483647> : vector<1024xi32>
    %reduce_min3A_61 = vector.multi_reduction <minsi>, %select_n3A_60, %reduce_min3A [1] : vector<1024x128xi32> to vector<1024xi32>
    %broadcast_in_dim3A_62 = vector.shape_cast %reduce_min3A_61 : vector<1024xi32> to vector<1024x1xi32>
    %eq3A_63 = vector.broadcast %broadcast_in_dim3A_62 : vector<1024x1xi32> to vector<1024x128xi32>
    %eq3A_64 = arith.cmpi eq, %iota3A, %eq3A_63 : vector<1024x128xi32>
    %jit3A_65 = arith.constant -1.000000e+30 : f32
    %broadcast_in_dim3A_66 = vector.broadcast %jit3A_65 : f32 to vector<1024x128xf32>
    %select_n3A_67 = arith.select %eq3A_64, %broadcast_in_dim3A_66, %select_n3A : vector<1024x128xi1>, vector<1024x128xf32>
    %reduce_max3A_68 = arith.constant dense<0xFF800000> : vector<1024xf32>
    %reduce_max3A_69 = vector.multi_reduction <maximumf>, %select_n3A_67, %reduce_max3A_68 [1] : vector<1024x128xf32> to vector<1024xf32>
    %broadcast_in_dim3A_70 = vector.shape_cast %reduce_max3A_69 : vector<1024xf32> to vector<1024x1xf32>
    %eq3A_71 = vector.broadcast %broadcast_in_dim3A_70 : vector<1024x1xf32> to vector<1024x128xf32>
    %eq3A_72 = arith.cmpf oeq, %select_n3A_67, %eq3A_71 : vector<1024x128xf32>
    %jit3A_73 = arith.constant 1000000 : i32
    %broadcast_in_dim3A_74 = vector.broadcast %jit3A_73 : i32 to vector<1024x128xi32>
    %select_n3A_75 = arith.select %eq3A_72, %iota3A, %broadcast_in_dim3A_74 : vector<1024x128xi1>, vector<1024x128xi32>
    %reduce_min3A_76 = arith.constant dense<2147483647> : vector<1024xi32>
    %reduce_min3A_77 = vector.multi_reduction <minsi>, %select_n3A_75, %reduce_min3A_76 [1] : vector<1024x128xi32> to vector<1024xi32>
    %broadcast_in_dim3A_78 = vector.shape_cast %reduce_min3A_77 : vector<1024xi32> to vector<1024x1xi32>
    %eq3A_79 = vector.broadcast %broadcast_in_dim3A_78 : vector<1024x1xi32> to vector<1024x128xi32>
    %eq3A_80 = arith.cmpi eq, %iota3A, %eq3A_79 : vector<1024x128xi32>
    %sub3A_81 = arith.subf %broadcast_in_dim3A_70, %broadcast_in_dim3A_56 : vector<1024x1xf32>
    %exp3A = math.exp %sub3A_81 : vector<1024x1xf32>
    %add3A_82 = arith.constant 1.000000e+00 : f32
    %add3A_83 = vector.broadcast %add3A_82 : f32 to vector<1024x1xf32>
    %add3A_84 = arith.addf %add3A_83, %exp3A : vector<1024x1xf32>
    %div3A_85 = arith.constant 1.000000e+00 : f32
    %div3A_86 = vector.broadcast %div3A_85 : f32 to vector<1024x1xf32>
    %div3A_87 = arith.divf %div3A_86, %add3A_84 : vector<1024x1xf32>
    %add3A_88 = arith.constant 1.000000e+00 : f32
    %add3A_89 = vector.broadcast %add3A_88 : f32 to vector<1024x1xf32>
    %add3A_90 = arith.addf %add3A_89, %exp3A : vector<1024x1xf32>
    %div3A_91 = arith.divf %exp3A, %add3A_90 : vector<1024x1xf32>
    %jit3A_92 = arith.constant 1.000000e+00 : f32
    %jit3A_93 = arith.constant 0.000000e+00 : f32
    %broadcast_in_dim3A_94 = vector.broadcast %jit3A_92 : f32 to vector<1024x128xf32>
    %broadcast_in_dim3A_95 = vector.broadcast %jit3A_93 : f32 to vector<1024x128xf32>
    %select_n3A_96 = arith.select %eq3A_64, %broadcast_in_dim3A_94, %broadcast_in_dim3A_95 : vector<1024x128xi1>, vector<1024x128xf32>
    %jit3A_97 = arith.constant 1.000000e+00 : f32
    %jit3A_98 = arith.constant 0.000000e+00 : f32
    %broadcast_in_dim3A_99 = vector.broadcast %jit3A_97 : f32 to vector<1024x128xf32>
    %broadcast_in_dim3A_100 = vector.broadcast %jit3A_98 : f32 to vector<1024x128xf32>
    %select_n3A_101 = arith.select %eq3A_80, %broadcast_in_dim3A_99, %broadcast_in_dim3A_100 : vector<1024x128xi1>, vector<1024x128xf32>
    %add3A_102 = arith.addf %select_n3A_96, %select_n3A_101 : vector<1024x128xf32>
    %iota3A_103 = tpu.iota {dimensions = array<i32: 0>} : vector<1024x1024xi32>
    %iota3A_104 = tpu.iota {dimensions = array<i32: 1>} : vector<1024x1024xi32>
    %lt3A_105 = arith.cmpi slt, %iota3A_104, %iota3A_103 : vector<1024x1024xi32>
    %jit3A_106 = arith.constant 1.000000e+00 : f32
    %jit3A_107 = arith.constant 0.000000e+00 : f32
    %broadcast_in_dim3A_108 = vector.broadcast %jit3A_106 : f32 to vector<1024x1024xf32>
    %broadcast_in_dim3A_109 = vector.broadcast %jit3A_107 : f32 to vector<1024x1024xf32>
    %select_n3A_110 = arith.select %lt3A_105, %broadcast_in_dim3A_108, %broadcast_in_dim3A_109 : vector<1024x1024xi1>, vector<1024x1024xf32>
    %dot_general3A_111 = arith.constant dense<0.000000e+00> : vector<1024x128xf32>
    %dot_general3A_112 = tpu.matmul %select_n3A_110, %add3A_102, %dot_general3A_111 {dimension_numbers = #tpu.dot_dimension_numbers<[1], [0], [0], [1], [0, 0, 1, 1], [], []>, transpose_lhs_hint = false} : vector<1024x1024xf32>, vector<1024x128xf32>, vector<1024x128xf32> -> vector<1024x128xf32>
    %reduce_sum3A_113 = arith.constant dense<0.000000e+00> : vector<128xf32>
    %reduce_sum3A_114 = vector.multi_reduction <add>, %add3A_102, %reduce_sum3A_113 [0] : vector<1024x128xf32> to vector<128xf32>
    %broadcast_in_dim3A_115 = vector.shape_cast %reduce_sum3A_114 : vector<128xf32> to vector<1x128xf32>
    %mul3A_116 = arith.constant 3.906250e-03 : f32
    %mul3A_117 = vector.broadcast %mul3A_116 : f32 to vector<1x128xf32>
    %mul3A_118 = arith.mulf %broadcast_in_dim3A_115, %mul3A_117 : vector<1x128xf32>
    %ceil3A = math.ceil %mul3A_118 : vector<1x128xf32>
    %mul3A_119 = arith.constant 2.560000e+02 : f32
    %mul3A_120 = vector.broadcast %mul3A_119 : f32 to vector<1x128xf32>
    %mul3A_121 = arith.mulf %ceil3A, %mul3A_120 : vector<1x128xf32>
    %iota3A_122 = tpu.iota {dimensions = array<i32: 0>} : vector<128x128xi32>
    %iota3A_123 = tpu.iota {dimensions = array<i32: 1>} : vector<128x128xi32>
    %lt3A_124 = arith.cmpi slt, %iota3A_122, %iota3A_123 : vector<128x128xi32>
    %jit3A_125 = arith.constant 1.000000e+00 : f32
    %jit3A_126 = arith.constant 0.000000e+00 : f32
    %broadcast_in_dim3A_127 = vector.broadcast %jit3A_125 : f32 to vector<128x128xf32>
    %broadcast_in_dim3A_128 = vector.broadcast %jit3A_126 : f32 to vector<128x128xf32>
    %select_n3A_129 = arith.select %lt3A_124, %broadcast_in_dim3A_127, %broadcast_in_dim3A_128 : vector<128x128xi1>, vector<128x128xf32>
    %dot_general3A_130 = arith.constant dense<0.000000e+00> : vector<1x128xf32>
    %dot_general3A_131 = tpu.matmul %mul3A_121, %select_n3A_129, %dot_general3A_130 {dimension_numbers = #tpu.dot_dimension_numbers<[1], [0], [0], [1], [0, 0, 1, 1], [], []>, transpose_lhs_hint = false} : vector<1x128xf32>, vector<128x128xf32>, vector<1x128xf32> -> vector<1x128xf32>
    %add3A_132 = vector.broadcast %dot_general3A_131 : vector<1x128xf32> to vector<1024x128xf32>
    %add3A_133 = arith.addf %add3A_132, %dot_general3A_112 : vector<1024x128xf32>
    %jit3A_134 = arith.constant 0.000000e+00 : f32
    %broadcast_in_dim3A_135 = vector.broadcast %jit3A_134 : f32 to vector<1024x128xf32>
    %select_n3A_136 = arith.select %eq3A_64, %add3A_133, %broadcast_in_dim3A_135 : vector<1024x128xi1>, vector<1024x128xf32>
    %reduce_sum3A_137 = arith.constant dense<0.000000e+00> : vector<1024xf32>
    %reduce_sum3A_138 = vector.multi_reduction <add>, %select_n3A_136, %reduce_sum3A_137 [1] : vector<1024x128xf32> to vector<1024xf32>
    %broadcast_in_dim3A_139 = vector.shape_cast %reduce_sum3A_138 : vector<1024xf32> to vector<1024x1xf32>
    %jit3A_140 = arith.constant 0.000000e+00 : f32
    %broadcast_in_dim3A_141 = vector.broadcast %jit3A_140 : f32 to vector<1024x128xf32>
    %select_n3A_142 = arith.select %eq3A_80, %add3A_133, %broadcast_in_dim3A_141 : vector<1024x128xi1>, vector<1024x128xf32>
    %reduce_sum3A_143 = arith.constant dense<0.000000e+00> : vector<1024xf32>
    %reduce_sum3A_144 = vector.multi_reduction <add>, %select_n3A_142, %reduce_sum3A_143 [1] : vector<1024x128xf32> to vector<1024xf32>
    %broadcast_in_dim3A_145 = vector.shape_cast %reduce_sum3A_144 : vector<1024xf32> to vector<1024x1xf32>
    %eq3A_146 = arith.constant 0 : i32
    %eq3A_147 = vector.broadcast %eq3A_146 : i32 to vector<1024x128xi32>
    %eq3A_148 = arith.cmpi eq, %iota3A, %eq3A_147 : vector<1024x128xi32>
    %jit3A_149 = arith.constant 0.000000e+00 : f32
    %broadcast_in_dim3A_150 = vector.shape_cast %broadcast_in_dim3A_139 : vector<1024x1xf32> to vector<1024x1xf32>
    %broadcast_in_dim3A_151 = vector.broadcast %broadcast_in_dim3A_150 : vector<1024x1xf32> to vector<1024x128xf32>
    %broadcast_in_dim3A_152 = vector.broadcast %jit3A_149 : f32 to vector<1024x128xf32>
    %select_n3A_153 = arith.select %eq3A_148, %broadcast_in_dim3A_151, %broadcast_in_dim3A_152 : vector<1024x128xi1>, vector<1024x128xf32>
    %eq3A_154 = arith.constant 1 : i32
    %eq3A_155 = vector.broadcast %eq3A_154 : i32 to vector<1024x128xi32>
    %eq3A_156 = arith.cmpi eq, %iota3A, %eq3A_155 : vector<1024x128xi32>
    %jit3A_157 = arith.constant 0.000000e+00 : f32
    %broadcast_in_dim3A_158 = vector.shape_cast %broadcast_in_dim3A_145 : vector<1024x1xf32> to vector<1024x1xf32>
    %broadcast_in_dim3A_159 = vector.broadcast %broadcast_in_dim3A_158 : vector<1024x1xf32> to vector<1024x128xf32>
    %broadcast_in_dim3A_160 = vector.broadcast %jit3A_157 : f32 to vector<1024x128xf32>
    %select_n3A_161 = arith.select %eq3A_156, %broadcast_in_dim3A_159, %broadcast_in_dim3A_160 : vector<1024x128xi1>, vector<1024x128xf32>
    %add3A_162 = arith.addf %select_n3A_153, %select_n3A_161 : vector<1024x128xf32>
    %eq3A_163 = arith.constant 2 : i32
    %eq3A_164 = vector.broadcast %eq3A_163 : i32 to vector<1024x128xi32>
    %eq3A_165 = arith.cmpi eq, %iota3A, %eq3A_164 : vector<1024x128xi32>
    %jit3A_166 = arith.constant 0.000000e+00 : f32
    %broadcast_in_dim3A_167 = vector.shape_cast %div3A_87 : vector<1024x1xf32> to vector<1024x1xf32>
    %broadcast_in_dim3A_168 = vector.broadcast %broadcast_in_dim3A_167 : vector<1024x1xf32> to vector<1024x128xf32>
    %broadcast_in_dim3A_169 = vector.broadcast %jit3A_166 : f32 to vector<1024x128xf32>
    %select_n3A_170 = arith.select %eq3A_165, %broadcast_in_dim3A_168, %broadcast_in_dim3A_169 : vector<1024x128xi1>, vector<1024x128xf32>
    %add3A_171 = arith.addf %add3A_162, %select_n3A_170 : vector<1024x128xf32>
    %eq3A_172 = arith.constant 3 : i32
    %eq3A_173 = vector.broadcast %eq3A_172 : i32 to vector<1024x128xi32>
    %eq3A_174 = arith.cmpi eq, %iota3A, %eq3A_173 : vector<1024x128xi32>
    %jit3A_175 = arith.constant 0.000000e+00 : f32
    %broadcast_in_dim3A_176 = vector.shape_cast %div3A_91 : vector<1024x1xf32> to vector<1024x1xf32>
    %broadcast_in_dim3A_177 = vector.broadcast %broadcast_in_dim3A_176 : vector<1024x1xf32> to vector<1024x128xf32>
    %broadcast_in_dim3A_178 = vector.broadcast %jit3A_175 : f32 to vector<1024x128xf32>
    %select_n3A_179 = arith.select %eq3A_174, %broadcast_in_dim3A_177, %broadcast_in_dim3A_178 : vector<1024x128xi1>, vector<1024x128xf32>
    %add3A_180 = arith.addf %add3A_171, %select_n3A_179 : vector<1024x128xf32>
    %swap3A_181 = arith.constant 0 : index
    %swap3A_182 = arith.constant 0 : index
    %swap3A_183 = vector.load %arg9[%swap3A_181, %swap3A_182] : memref<1024x128xf32, #tpu.memory_space<vmem>>, vector<1024x128xf32>
    tpu.vector_store %arg9[%swap3A_181, %swap3A_182], %add3A_180 {strides = array<i32>} : memref<1024x128xf32, #tpu.memory_space<vmem>>, vector<1024x128xf32>,
    %iota3A_184 = tpu.iota {dimensions = array<i32: 1>} : vector<1024x3072xi32>
    %convert_element_type3A = arith.sitofp %iota3A_184 : vector<1024x3072xi32> to vector<1024x3072xf32>
    %eq3A_185 = vector.broadcast %broadcast_in_dim3A_139 : vector<1024x1xf32> to vector<1024x3072xf32>
    %eq3A_186 = arith.cmpf oeq, %convert_element_type3A, %eq3A_185 : vector<1024x3072xf32>
    %eq3A_187 = vector.broadcast %broadcast_in_dim3A_145 : vector<1024x1xf32> to vector<1024x3072xf32>
    %eq3A_188 = arith.cmpf oeq, %convert_element_type3A, %eq3A_187 : vector<1024x3072xf32>
    %or3A = arith.ori %eq3A_186, %eq3A_188 : vector<1024x3072xi1>
    %jit3A_189 = arith.constant 1.000000e+00 : f32
    %jit3A_190 = arith.constant 0.000000e+00 : f32
    %broadcast_in_dim3A_191 = vector.broadcast %jit3A_189 : f32 to vector<1024x3072xf32>
    %broadcast_in_dim3A_192 = vector.broadcast %jit3A_190 : f32 to vector<1024x3072xf32>
    %select_n3A_193 = arith.select %or3A, %broadcast_in_dim3A_191, %broadcast_in_dim3A_192 : vector<1024x3072xi1>, vector<1024x3072xf32>
    %iota3A_194 = tpu.iota {dimensions = array<i32: 1>} : vector<1x1024xi32>
    %convert_element_type3A_195 = arith.sitofp %iota3A_194 : vector<1x1024xi32> to vector<1x1024xf32>
    %dot_general3A_196 = arith.constant dense<0.000000e+00> : vector<1x3072xf32>
    %dot_general3A_197 = tpu.matmul %convert_element_type3A_195, %select_n3A_193, %dot_general3A_196 {dimension_numbers = #tpu.dot_dimension_numbers<[1], [0], [0], [1], [0, 0, 1, 1], [], []>, precision = #tpu.contract_precision<fp32>, transpose_lhs_hint = false} : vector<1x1024xf32>, vector<1024x3072xf32>, vector<1x3072xf32> -> vector<1x3072xf32>
    %swap3A_198 = arith.constant 0 : index
    %swap3A_199 = arith.constant 0 : index
    %swap3A_200 = vector.load %arg10[%swap3A_198, %swap3A_199] : memref<1x3072xf32, #tpu.memory_space<vmem>>, vector<1x3072xf32>
    tpu.vector_store %arg10[%swap3A_198, %swap3A_199], %dot_general3A_197 {strides = array<i32>} : memref<1x3072xf32, #tpu.memory_space<vmem>>, vector<1x3072xf32>,
    %iota3A_201 = tpu.iota {dimensions = array<i32: 1>} : vector<1x128xi32>
    %convert_element_type3A_202 = arith.sitofp %iota3A_201 : vector<1x128xi32> to vector<1x128xf32>
    %broadcast_in_dim3A_203 = arith.constant 0.000000e+00 : f32
    %broadcast_in_dim3A_204 = vector.broadcast %broadcast_in_dim3A_203 : f32 to vector<1x128xf32>
    %sub3A_205 = arith.constant 1.000000e+00 : f32
    %sub3A_206 = vector.broadcast %sub3A_205 : f32 to vector<1x128xf32>
    %sub3A_207 = arith.subf %broadcast_in_dim3A_204, %sub3A_206 : vector<1x128xf32>
    %slice3A = vector.extract_strided_slice %iota3A {offsets = [0, 0], sizes = [1, 128], strides = [1, 1]} : vector<1024x128xi32> to vector<1x128xi32>
    %eq3A_208 = arith.constant 0 : i32
    %eq3A_209 = vector.broadcast %eq3A_208 : i32 to vector<1x128xi32>
    %eq3A_210 = arith.cmpi eq, %slice3A, %eq3A_209 : vector<1x128xi32>
    %jit3A_211 = arith.constant 0.000000e+00 : f32
    %broadcast_in_dim3A_212 = vector.broadcast %jit3A_211 : f32 to vector<1x128xf32>
    %select_n3A_213 = arith.select %eq3A_210, %dot_general3A_131, %broadcast_in_dim3A_212 : vector<1x128xi1>, vector<1x128xf32>
    %reduce_sum3A_214 = vector.shape_cast %select_n3A_213 : vector<1x128xf32> to vector<1x1x128xf32>
    %reduce_sum3A_215 = arith.constant dense<0.000000e+00> : vector<1xf32>
    %reduce_sum3A_216 = vector.multi_reduction <add>, %reduce_sum3A_214, %reduce_sum3A_215 [1, 2] : vector<1x1x128xf32> to vector<1xf32>
    %reduce_sum3A_217 = vector.shape_cast %reduce_sum3A_216 : vector<1xf32> to vector<1x1x1xf32>
    %reduce_sum3A_218 = vector.extract %reduce_sum3A_217[0, 0, 0] : f32 from vector<1x1x1xf32>
    %mul3A_219 = arith.constant 2.560000e+02 : f32
    %mul3A_220 = vector.broadcast %mul3A_219 : f32 to vector<1x128xf32>
    %mul3A_221 = arith.mulf %convert_element_type3A_202, %mul3A_220 : vector<1x128xf32>
    %ge3A = vector.broadcast %reduce_sum3A_218 : f32 to vector<1x128xf32>
    %ge3A_222 = arith.cmpf oge, %mul3A_221, %ge3A : vector<1x128xf32>
    %jit3A_223 = arith.constant 1.000000e+00 : f32
    %jit3A_224 = arith.constant 0.000000e+00 : f32
    %broadcast_in_dim3A_225 = vector.broadcast %jit3A_223 : f32 to vector<1x128xf32>
    %broadcast_in_dim3A_226 = vector.broadcast %jit3A_224 : f32 to vector<1x128xf32>
    %select_n3A_227 = arith.select %ge3A_222, %broadcast_in_dim3A_225, %broadcast_in_dim3A_226 : vector<1x128xi1>, vector<1x128xf32>
    %add3A_228 = arith.addf %sub3A_207, %select_n3A_227 : vector<1x128xf32>
    %slice3A_229 = vector.extract_strided_slice %iota3A {offsets = [0, 0], sizes = [1, 128], strides = [1, 1]} : vector<1024x128xi32> to vector<1x128xi32>
    %eq3A_230 = arith.constant 1 : i32
    %eq3A_231 = vector.broadcast %eq3A_230 : i32 to vector<1x128xi32>
    %eq3A_232 = arith.cmpi eq, %slice3A_229, %eq3A_231 : vector<1x128xi32>
    %jit3A_233 = arith.constant 0.000000e+00 : f32
    %broadcast_in_dim3A_234 = vector.broadcast %jit3A_233 : f32 to vector<1x128xf32>
    %select_n3A_235 = arith.select %eq3A_232, %dot_general3A_131, %broadcast_in_dim3A_234 : vector<1x128xi1>, vector<1x128xf32>
    %reduce_sum3A_236 = vector.shape_cast %select_n3A_235 : vector<1x128xf32> to vector<1x1x128xf32>
    %reduce_sum3A_237 = arith.constant dense<0.000000e+00> : vector<1xf32>
    %reduce_sum3A_238 = vector.multi_reduction <add>, %reduce_sum3A_236, %reduce_sum3A_237 [1, 2] : vector<1x1x128xf32> to vector<1xf32>
    %reduce_sum3A_239 = vector.shape_cast %reduce_sum3A_238 : vector<1xf32> to vector<1x1x1xf32>
    %reduce_sum3A_240 = vector.extract %reduce_sum3A_239[0, 0, 0] : f32 from vector<1x1x1xf32>
    %mul3A_241 = arith.constant 2.560000e+02 : f32
    %mul3A_242 = vector.broadcast %mul3A_241 : f32 to vector<1x128xf32>
    %mul3A_243 = arith.mulf %convert_element_type3A_202, %mul3A_242 : vector<1x128xf32>
    %ge3A_244 = vector.broadcast %reduce_sum3A_240 : f32 to vector<1x128xf32>
    %ge3A_245 = arith.cmpf oge, %mul3A_243, %ge3A_244 : vector<1x128xf32>
    %jit3A_246 = arith.constant 1.000000e+00 : f32
    %jit3A_247 = arith.constant 0.000000e+00 : f32
    %broadcast_in_dim3A_248 = vector.broadcast %jit3A_246 : f32 to vector<1x128xf32>
    %broadcast_in_dim3A_249 = vector.broadcast %jit3A_247 : f32 to vector<1x128xf32>
    %select_n3A_250 = arith.select %ge3A_245, %broadcast_in_dim3A_248, %broadcast_in_dim3A_249 : vector<1x128xi1>, vector<1x128xf32>
    %add3A_251 = arith.addf %add3A_228, %select_n3A_250 : vector<1x128xf32>
    %slice3A_252 = vector.extract_strided_slice %iota3A {offsets = [0, 0], sizes = [1, 128], strides = [1, 1]} : vector<1024x128xi32> to vector<1x128xi32>
    %eq3A_253 = arith.constant 2 : i32
    %eq3A_254 = vector.broadcast %eq3A_253 : i32 to vector<1x128xi32>
    %eq3A_255 = arith.cmpi eq, %slice3A_252, %eq3A_254 : vector<1x128xi32>
    %jit3A_256 = arith.constant 0.000000e+00 : f32
    %broadcast_in_dim3A_257 = vector.broadcast %jit3A_256 : f32 to vector<1x128xf32>
    %select_n3A_258 = arith.select %eq3A_255, %dot_general3A_131, %broadcast_in_dim3A_257 : vector<1x128xi1>, vector<1x128xf32>
    %reduce_sum3A_259 = vector.shape_cast %select_n3A_258 : vector<1x128xf32> to vector<1x1x128xf32>
    %reduce_sum3A_260 = arith.constant dense<0.000000e+00> : vector<1xf32>
    %reduce_sum3A_261 = vector.multi_reduction <add>, %reduce_sum3A_259, %reduce_sum3A_260 [1, 2] : vector<1x1x128xf32> to vector<1xf32>
    %reduce_sum3A_262 = vector.shape_cast %reduce_sum3A_261 : vector<1xf32> to vector<1x1x1xf32>
    %reduce_sum3A_263 = vector.extract %reduce_sum3A_262[0, 0, 0] : f32 from vector<1x1x1xf32>
    %mul3A_264 = arith.constant 2.560000e+02 : f32
    %mul3A_265 = vector.broadcast %mul3A_264 : f32 to vector<1x128xf32>
    %mul3A_266 = arith.mulf %convert_element_type3A_202, %mul3A_265 : vector<1x128xf32>
    %ge3A_267 = vector.broadcast %reduce_sum3A_263 : f32 to vector<1x128xf32>
    %ge3A_268 = arith.cmpf oge, %mul3A_266, %ge3A_267 : vector<1x128xf32>
    %jit3A_269 = arith.constant 1.000000e+00 : f32
    %jit3A_270 = arith.constant 0.000000e+00 : f32
    %broadcast_in_dim3A_271 = vector.broadcast %jit3A_269 : f32 to vector<1x128xf32>
    %broadcast_in_dim3A_272 = vector.broadcast %jit3A_270 : f32 to vector<1x128xf32>
    %select_n3A_273 = arith.select %ge3A_268, %broadcast_in_dim3A_271, %broadcast_in_dim3A_272 : vector<1x128xi1>, vector<1x128xf32>
    %add3A_274 = arith.addf %add3A_251, %select_n3A_273 : vector<1x128xf32>
    %slice3A_275 = vector.extract_strided_slice %iota3A {offsets = [0, 0], sizes = [1, 128], strides = [1, 1]} : vector<1024x128xi32> to vector<1x128xi32>
    %eq3A_276 = arith.constant 3 : i32
    %eq3A_277 = vector.broadcast %eq3A_276 : i32 to vector<1x128xi32>
    %eq3A_278 = arith.cmpi eq, %slice3A_275, %eq3A_277 : vector<1x128xi32>
    %jit3A_279 = arith.constant 0.000000e+00 : f32
    %broadcast_in_dim3A_280 = vector.broadcast %jit3A_279 : f32 to vector<1x128xf32>
    %select_n3A_281 = arith.select %eq3A_278, %dot_general3A_131, %broadcast_in_dim3A_280 : vector<1x128xi1>, vector<1x128xf32>
    %reduce_sum3A_282 = vector.shape_cast %select_n3A_281 : vector<1x128xf32> to vector<1x1x128xf32>
    %reduce_sum3A_283 = arith.constant dense<0.000000e+00> : vector<1xf32>
    %reduce_sum3A_284 = vector.multi_reduction <add>, %reduce_sum3A_282, %reduce_sum3A_283 [1, 2] : vector<1x1x128xf32> to vector<1xf32>
    %reduce_sum3A_285 = vector.shape_cast %reduce_sum3A_284 : vector<1xf32> to vector<1x1x1xf32>
    %reduce_sum3A_286 = vector.extract %reduce_sum3A_285[0, 0, 0] : f32 from vector<1x1x1xf32>
    %mul3A_287 = arith.constant 2.560000e+02 : f32
    %mul3A_288 = vector.broadcast %mul3A_287 : f32 to vector<1x128xf32>
    %mul3A_289 = arith.mulf %convert_element_type3A_202, %mul3A_288 : vector<1x128xf32>
    %ge3A_290 = vector.broadcast %reduce_sum3A_286 : f32 to vector<1x128xf32>
    %ge3A_291 = arith.cmpf oge, %mul3A_289, %ge3A_290 : vector<1x128xf32>
    %jit3A_292 = arith.constant 1.000000e+00 : f32
    %jit3A_293 = arith.constant 0.000000e+00 : f32
    %broadcast_in_dim3A_294 = vector.broadcast %jit3A_292 : f32 to vector<1x128xf32>
    %broadcast_in_dim3A_295 = vector.broadcast %jit3A_293 : f32 to vector<1x128xf32>
    %select_n3A_296 = arith.select %ge3A_291, %broadcast_in_dim3A_294, %broadcast_in_dim3A_295 : vector<1x128xi1>, vector<1x128xf32>
    %add3A_297 = arith.addf %add3A_274, %select_n3A_296 : vector<1x128xf32>
    %reduce_sum3A_298 = vector.shape_cast %mul3A_121 : vector<1x128xf32> to vector<1x1x128xf32>
    %reduce_sum3A_299 = arith.constant dense<0.000000e+00> : vector<1xf32>
    %reduce_sum3A_300 = vector.multi_reduction <add>, %reduce_sum3A_298, %reduce_sum3A_299 [1, 2] : vector<1x1x128xf32> to vector<1xf32>
    %reduce_sum3A_301 = vector.shape_cast %reduce_sum3A_300 : vector<1xf32> to vector<1x1x1xf32>
    %reduce_sum3A_302 = vector.extract %reduce_sum3A_301[0, 0, 0] : f32 from vector<1x1x1xf32>
    %mul3A_303 = arith.constant 3.906250e-03 : f32
    %mul3A_304 = arith.mulf %reduce_sum3A_302, %mul3A_303 : f32
    %slice3A_305 = vector.extract_strided_slice %iota3A {offsets = [0, 0], sizes = [1, 128], strides = [1, 1]} : vector<1024x128xi32> to vector<1x128xi32>
    %lt3A_306 = arith.constant 12 : i32
    %lt3A_307 = vector.broadcast %lt3A_306 : i32 to vector<1x128xi32>
    %lt3A_308 = arith.cmpi slt, %slice3A_305, %lt3A_307 : vector<1x128xi32>
    %broadcast_in_dim3A_309 = vector.broadcast %mul3A_304 : f32 to vector<1x128xf32>
    %select_n3A_310 = arith.select %lt3A_308, %add3A_297, %broadcast_in_dim3A_309 : vector<1x128xi1>, vector<1x128xf32>
    %swap3A_311 = arith.constant 0 : index
    %swap3A_312 = arith.constant 0 : index
    %swap3A_313 = vector.load %arg11[%swap3A_311, %swap3A_312] : memref<1x128xf32, #tpu.memory_space<vmem>>, vector<1x128xf32>
    tpu.vector_store %arg11[%swap3A_311, %swap3A_312], %select_n3A_310 {strides = array<i32>} : memref<1x128xf32, #tpu.memory_space<vmem>>, vector<1x128xf32>,
    return
  }
}

module attributes {stable_mosaic.version = 14 : i64} {
  func.func @_grouped_moe_body(%arg0: i32, %arg1: i32, %arg2: memref<12xi32, #tpu.memory_space<smem>>, %arg3: memref<1xi32, #tpu.memory_space<smem>>, %arg4: memref<256x768xf32, #tpu.memory_space<vmem>>, %arg5: memref<1x768x1536xf32, #tpu.memory_space<vmem>>, %arg6: memref<1x1x1536xf32, #tpu.memory_space<vmem>>, %arg7: memref<1x1536x768xf32, #tpu.memory_space<vmem>>, %arg8: memref<1x1x768xf32, #tpu.memory_space<vmem>>, %arg9: memref<3072x768xf32, #tpu.memory_space<vmem>>, %arg10: memref<3072x768xf32, #tpu.memory_space<vmem>>) attributes {dimension_semantics = [#tpu.dimension_semantics<arbitrary>, #tpu.dimension_semantics<arbitrary>], iteration_bounds = array<i64: 2, 12>, scalar_prefetch = 2 : i64, scratch_operands = 1 : i64, tpu.core_type = #tpu.core_type<tc>, window_params = [{transform_indices = @transform_0, window_bounds = array<i64: 256, 768>}, {transform_indices = @transform_1, window_bounds = array<i64: 1, 768, 1536>}, {transform_indices = @transform_2, window_bounds = array<i64: 1, 1, 1536>}, {transform_indices = @transform_3, window_bounds = array<i64: 1, 1536, 768>}, {transform_indices = @transform_4, window_bounds = array<i64: 1, 1, 768>}, {pipeline_mode = #tpu.pipeline_mode<synchronous>, transform_indices = @transform_5, window_bounds = array<i64: 3072, 768>}]} {
    %mul3A = arith.constant 256 : i32
    %mul3A_0 = arith.muli %arg1, %mul3A : i32
    %get3A = arith.constant 0 : index
    %get3A_1 = memref.load %arg3[%get3A] : memref<1xi32, #tpu.memory_space<smem>>
    %lt3A = arith.cmpi slt, %arg1, %get3A_1 : i32
    %convert_element_type3A = arith.extui %lt3A : i1 to i32
    %cond3A = arith.constant 0 : i32
    %cond3A_2 = arith.cmpi ne, %convert_element_type3A, %cond3A : i32
    scf.if %cond3A_2 {
      %get3A_3 = arith.constant 0 : index
      %get3A_4 = arith.constant 0 : index
      %get3A_5 = vector.load %arg4[%get3A_3, %get3A_4] : memref<256x768xf32, #tpu.memory_space<vmem>>, vector<256x768xf32>
      %get3A_6 = arith.constant 0 : index
      %get3A_7 = arith.constant 0 : index
      %get3A_8 = arith.constant 0 : index
      %get3A_9 = vector.load %arg5[%get3A_6, %get3A_7, %get3A_8] : memref<1x768x1536xf32, #tpu.memory_space<vmem>>, vector<1x768x1536xf32>
      %get3A_10 = vector.shape_cast %get3A_9 : vector<1x768x1536xf32> to vector<768x1536xf32>
      %dot_general3A = arith.constant dense<0.000000e+00> : vector<256x1536xf32>
      %dot_general3A_11 = tpu.matmul %get3A_5, %get3A_10, %dot_general3A {dimension_numbers = #tpu.dot_dimension_numbers<[1], [0], [0], [1], [0, 0, 1, 1], [], []>, transpose_lhs_hint = false} : vector<256x768xf32>, vector<768x1536xf32>, vector<256x1536xf32> -> vector<256x1536xf32>
      %get3A_12 = arith.constant 0 : index
      %get3A_13 = arith.constant 0 : index
      %get3A_14 = arith.constant 0 : index
      %get3A_15 = vector.load %arg6[%get3A_12, %get3A_13, %get3A_14] : memref<1x1x1536xf32, #tpu.memory_space<vmem>>, vector<1x1x1536xf32>
      %get3A_16 = vector.shape_cast %get3A_15 : vector<1x1x1536xf32> to vector<1x1536xf32>
      %add3A = vector.broadcast %get3A_16 : vector<1x1536xf32> to vector<256x1536xf32>
      %add3A_17 = arith.addf %dot_general3A_11, %add3A : vector<256x1536xf32>
      %max3A = arith.constant 0.000000e+00 : f32
      %max3A_18 = vector.broadcast %max3A : f32 to vector<256x1536xf32>
      %max3A_19 = arith.maximumf %add3A_17, %max3A_18 : vector<256x1536xf32>
      %get3A_20 = arith.constant 0 : index
      %get3A_21 = arith.constant 0 : index
      %get3A_22 = arith.constant 0 : index
      %get3A_23 = vector.load %arg7[%get3A_20, %get3A_21, %get3A_22] : memref<1x1536x768xf32, #tpu.memory_space<vmem>>, vector<1x1536x768xf32>
      %get3A_24 = vector.shape_cast %get3A_23 : vector<1x1536x768xf32> to vector<1536x768xf32>
      %dot_general3A_25 = arith.constant dense<0.000000e+00> : vector<256x768xf32>
      %dot_general3A_26 = tpu.matmul %max3A_19, %get3A_24, %dot_general3A_25 {dimension_numbers = #tpu.dot_dimension_numbers<[1], [0], [0], [1], [0, 0, 1, 1], [], []>, transpose_lhs_hint = false} : vector<256x1536xf32>, vector<1536x768xf32>, vector<256x768xf32> -> vector<256x768xf32>
      %eq3A = arith.constant 0 : i32
      %eq3A_27 = arith.cmpi eq, %arg0, %eq3A : i32
      %convert_element_type3A_28 = arith.extui %eq3A_27 : i1 to i32
      %cond3A_29 = arith.constant 0 : i32
      %cond3A_30 = arith.cmpi ne, %convert_element_type3A_28, %cond3A_29 : i32
      scf.if %cond3A_30 {
        %swap3A = arith.index_cast %mul3A_0 : i32 to index
        %swap3A_36 = arith.constant 0 : index
        %swap3A_37 = vector.load %arg10[%swap3A, %swap3A_36] : memref<3072x768xf32, #tpu.memory_space<vmem>>, vector<256x768xf32>
        tpu.vector_store %arg10[%swap3A, %swap3A_36], %dot_general3A_26 {strides = array<i32>} : memref<3072x768xf32, #tpu.memory_space<vmem>>, vector<256x768xf32>,
      } else {
      }
      %eq3A_31 = arith.constant 1 : i32
      %eq3A_32 = arith.cmpi eq, %arg0, %eq3A_31 : i32
      %convert_element_type3A_33 = arith.extui %eq3A_32 : i1 to i32
      %cond3A_34 = arith.constant 0 : i32
      %cond3A_35 = arith.cmpi ne, %convert_element_type3A_33, %cond3A_34 : i32
      scf.if %cond3A_35 {
        %get3A_36 = arith.index_cast %mul3A_0 : i32 to index
        %get3A_37 = arith.constant 0 : index
        %get3A_38 = vector.load %arg10[%get3A_36, %get3A_37] : memref<3072x768xf32, #tpu.memory_space<vmem>>, vector<256x768xf32>
        %add3A_39 = arith.addf %get3A_38, %dot_general3A_26 : vector<256x768xf32>
        %get3A_40 = arith.constant 0 : index
        %get3A_41 = arith.constant 0 : index
        %get3A_42 = arith.constant 0 : index
        %get3A_43 = vector.load %arg8[%get3A_40, %get3A_41, %get3A_42] : memref<1x1x768xf32, #tpu.memory_space<vmem>>, vector<1x1x768xf32>
        %get3A_44 = vector.shape_cast %get3A_43 : vector<1x1x768xf32> to vector<1x768xf32>
        %add3A_45 = vector.broadcast %get3A_44 : vector<1x768xf32> to vector<256x768xf32>
        %add3A_46 = arith.addf %add3A_39, %add3A_45 : vector<256x768xf32>
        %swap3A = arith.index_cast %mul3A_0 : i32 to index
        %swap3A_47 = arith.constant 0 : index
        %swap3A_48 = vector.load %arg9[%swap3A, %swap3A_47] : memref<3072x768xf32, #tpu.memory_space<vmem>>, vector<256x768xf32>
        tpu.vector_store %arg9[%swap3A, %swap3A_47], %add3A_46 {strides = array<i32>} : memref<3072x768xf32, #tpu.memory_space<vmem>>, vector<256x768xf32>,
      } else {
      }
    } else {
    }
    return
  }
  func.func @transform_0(%arg0: i32, %arg1: i32, %arg2: memref<12xi32, #tpu.memory_space<smem>>, %arg3: memref<1xi32, #tpu.memory_space<smem>>) -> (i32, i32) {
    %c0_i32 = arith.constant 0 : i32
    %c0_i32_0 = arith.constant 0 : i32
    return %arg1, %c0_i32 : i32, i32
  }
  func.func @transform_1(%arg0: i32, %arg1: i32, %arg2: memref<12xi32, #tpu.memory_space<smem>>, %arg3: memref<1xi32, #tpu.memory_space<smem>>) -> (i32, i32, i32) {
    %get3A = arith.index_cast %arg1 : i32 to index
    %get3A_0 = memref.load %arg2[%get3A] : memref<12xi32, #tpu.memory_space<smem>>
    %c0_i32 = arith.constant 0 : i32
    %c0_i32_1 = arith.constant 0 : i32
    return %get3A_0, %c0_i32, %arg0 : i32, i32, i32
  }
  func.func @transform_2(%arg0: i32, %arg1: i32, %arg2: memref<12xi32, #tpu.memory_space<smem>>, %arg3: memref<1xi32, #tpu.memory_space<smem>>) -> (i32, i32, i32) {
    %get3A = arith.index_cast %arg1 : i32 to index
    %get3A_0 = memref.load %arg2[%get3A] : memref<12xi32, #tpu.memory_space<smem>>
    %c0_i32 = arith.constant 0 : i32
    %c0_i32_1 = arith.constant 0 : i32
    return %get3A_0, %c0_i32, %arg0 : i32, i32, i32
  }
  func.func @transform_3(%arg0: i32, %arg1: i32, %arg2: memref<12xi32, #tpu.memory_space<smem>>, %arg3: memref<1xi32, #tpu.memory_space<smem>>) -> (i32, i32, i32) {
    %get3A = arith.index_cast %arg1 : i32 to index
    %get3A_0 = memref.load %arg2[%get3A] : memref<12xi32, #tpu.memory_space<smem>>
    %c0_i32 = arith.constant 0 : i32
    %c0_i32_1 = arith.constant 0 : i32
    return %get3A_0, %arg0, %c0_i32 : i32, i32, i32
  }
  func.func @transform_4(%arg0: i32, %arg1: i32, %arg2: memref<12xi32, #tpu.memory_space<smem>>, %arg3: memref<1xi32, #tpu.memory_space<smem>>) -> (i32, i32, i32) {
    %get3A = arith.index_cast %arg1 : i32 to index
    %get3A_0 = memref.load %arg2[%get3A] : memref<12xi32, #tpu.memory_space<smem>>
    %c0_i32 = arith.constant 0 : i32
    %c0_i32_1 = arith.constant 0 : i32
    %c0_i32_2 = arith.constant 0 : i32
    return %get3A_0, %c0_i32, %c0_i32_1 : i32, i32, i32
  }
  func.func @transform_5(%arg0: i32, %arg1: i32, %arg2: memref<12xi32, #tpu.memory_space<smem>>, %arg3: memref<1xi32, #tpu.memory_space<smem>>) -> (i32, i32) {
    %c0_i32 = arith.constant 0 : i32
    %c0_i32_0 = arith.constant 0 : i32
    %c0_i32_1 = arith.constant 0 : i32
    return %c0_i32, %c0_i32_0 : i32, i32
  }
}

module attributes {stable_mosaic.version = 14 : i64} {
  func.func @_combine_body(%arg0: memref<1024x768xf32, #tpu.memory_space<vmem>>, %arg1: memref<1024x128xf32, #tpu.memory_space<vmem>>, %arg2: memref<2048x768xf32, #tpu.memory_space<vmem>>, %arg3: memref<1x768xf32, #tpu.memory_space<vmem>>, %arg4: memref<1x768xf32, #tpu.memory_space<vmem>>, %arg5: memref<1024x768xf32, #tpu.memory_space<vmem>>) attributes {dimension_semantics = [], scalar_prefetch = 0 : i64, scratch_operands = 0 : i64, tpu.core_type = #tpu.core_type<tc>} {
    %iota3A = tpu.iota {dimensions = array<i32: 1>} : vector<1024x128xi32>
    %eq3A = arith.constant 2 : i32
    %eq3A_0 = vector.broadcast %eq3A : i32 to vector<1024x128xi32>
    %eq3A_1 = arith.cmpi eq, %iota3A, %eq3A_0 : vector<1024x128xi32>
    %get3A = arith.constant 0 : index
    %get3A_2 = arith.constant 0 : index
    %get3A_3 = vector.load %arg1[%get3A, %get3A_2] : memref<1024x128xf32, #tpu.memory_space<vmem>>, vector<1024x128xf32>
    %jit3A = arith.constant 0.000000e+00 : f32
    %broadcast_in_dim3A = vector.broadcast %jit3A : f32 to vector<1024x128xf32>
    %select_n3A = arith.select %eq3A_1, %get3A_3, %broadcast_in_dim3A : vector<1024x128xi1>, vector<1024x128xf32>
    %reduce_sum3A = arith.constant dense<0.000000e+00> : vector<1024xf32>
    %reduce_sum3A_4 = vector.multi_reduction <add>, %select_n3A, %reduce_sum3A [1] : vector<1024x128xf32> to vector<1024xf32>
    %broadcast_in_dim3A_5 = vector.shape_cast %reduce_sum3A_4 : vector<1024xf32> to vector<1024x1xf32>
    %eq3A_6 = arith.constant 3 : i32
    %eq3A_7 = vector.broadcast %eq3A_6 : i32 to vector<1024x128xi32>
    %eq3A_8 = arith.cmpi eq, %iota3A, %eq3A_7 : vector<1024x128xi32>
    %get3A_9 = arith.constant 0 : index
    %get3A_10 = arith.constant 0 : index
    %get3A_11 = vector.load %arg1[%get3A_9, %get3A_10] : memref<1024x128xf32, #tpu.memory_space<vmem>>, vector<1024x128xf32>
    %jit3A_12 = arith.constant 0.000000e+00 : f32
    %broadcast_in_dim3A_13 = vector.broadcast %jit3A_12 : f32 to vector<1024x128xf32>
    %select_n3A_14 = arith.select %eq3A_8, %get3A_11, %broadcast_in_dim3A_13 : vector<1024x128xi1>, vector<1024x128xf32>
    %reduce_sum3A_15 = arith.constant dense<0.000000e+00> : vector<1024xf32>
    %reduce_sum3A_16 = vector.multi_reduction <add>, %select_n3A_14, %reduce_sum3A_15 [1] : vector<1024x128xf32> to vector<1024xf32>
    %broadcast_in_dim3A_17 = vector.shape_cast %reduce_sum3A_16 : vector<1024xf32> to vector<1024x1xf32>
    %get3A_18 = arith.constant 0 : index
    %get3A_19 = arith.constant 0 : index
    %get3A_20 = vector.load %arg2[%get3A_18, %get3A_19] : memref<2048x768xf32, #tpu.memory_space<vmem>>, vector<1024x768xf32>
    %get3A_21 = arith.constant 1024 : index
    %get3A_22 = arith.constant 0 : index
    %get3A_23 = vector.load %arg2[%get3A_21, %get3A_22] : memref<2048x768xf32, #tpu.memory_space<vmem>>, vector<1024x768xf32>
    %get3A_24 = arith.constant 0 : index
    %get3A_25 = arith.constant 0 : index
    %get3A_26 = vector.load %arg0[%get3A_24, %get3A_25] : memref<1024x768xf32, #tpu.memory_space<vmem>>, vector<1024x768xf32>
    %mul3A = vector.broadcast %broadcast_in_dim3A_5 : vector<1024x1xf32> to vector<1024x768xf32>
    %mul3A_27 = arith.mulf %mul3A, %get3A_20 : vector<1024x768xf32>
    %add3A = arith.addf %get3A_26, %mul3A_27 : vector<1024x768xf32>
    %mul3A_28 = vector.broadcast %broadcast_in_dim3A_17 : vector<1024x1xf32> to vector<1024x768xf32>
    %mul3A_29 = arith.mulf %mul3A_28, %get3A_23 : vector<1024x768xf32>
    %add3A_30 = arith.addf %add3A, %mul3A_29 : vector<1024x768xf32>
    %get3A_31 = arith.constant 0 : index
    %get3A_32 = arith.constant 0 : index
    %get3A_33 = vector.load %arg3[%get3A_31, %get3A_32] : memref<1x768xf32, #tpu.memory_space<vmem>>, vector<1x768xf32>
    %get3A_34 = arith.constant 0 : index
    %get3A_35 = arith.constant 0 : index
    %get3A_36 = vector.load %arg4[%get3A_34, %get3A_35] : memref<1x768xf32, #tpu.memory_space<vmem>>, vector<1x768xf32>
    %reduce_sum3A_37 = arith.constant dense<0.000000e+00> : vector<1024xf32>
    %reduce_sum3A_38 = vector.multi_reduction <add>, %add3A_30, %reduce_sum3A_37 [1] : vector<1024x768xf32> to vector<1024xf32>
    %broadcast_in_dim3A_39 = vector.shape_cast %reduce_sum3A_38 : vector<1024xf32> to vector<1024x1xf32>
    %div3A = arith.constant 7.680000e+02 : f32
    %div3A_40 = vector.broadcast %div3A : f32 to vector<1024x1xf32>
    %div3A_41 = arith.divf %broadcast_in_dim3A_39, %div3A_40 : vector<1024x1xf32>
    %sub3A = vector.broadcast %div3A_41 : vector<1024x1xf32> to vector<1024x768xf32>
    %sub3A_42 = arith.subf %add3A_30, %sub3A : vector<1024x768xf32>
    %integer_pow3A = arith.mulf %sub3A_42, %sub3A_42 : vector<1024x768xf32>
    %reduce_sum3A_43 = arith.constant dense<0.000000e+00> : vector<1024xf32>
    %reduce_sum3A_44 = vector.multi_reduction <add>, %integer_pow3A, %reduce_sum3A_43 [1] : vector<1024x768xf32> to vector<1024xf32>
    %broadcast_in_dim3A_45 = vector.shape_cast %reduce_sum3A_44 : vector<1024xf32> to vector<1024x1xf32>
    %div3A_46 = arith.constant 7.680000e+02 : f32
    %div3A_47 = vector.broadcast %div3A_46 : f32 to vector<1024x1xf32>
    %div3A_48 = arith.divf %broadcast_in_dim3A_45, %div3A_47 : vector<1024x1xf32>
    %sub3A_49 = vector.broadcast %div3A_41 : vector<1024x1xf32> to vector<1024x768xf32>
    %sub3A_50 = arith.subf %add3A_30, %sub3A_49 : vector<1024x768xf32>
    %add3A_51 = arith.constant 9.99999974E-6 : f32
    %add3A_52 = vector.broadcast %add3A_51 : f32 to vector<1024x1xf32>
    %add3A_53 = arith.addf %div3A_48, %add3A_52 : vector<1024x1xf32>
    %sqrt3A = math.sqrt %add3A_53 : vector<1024x1xf32>
    %div3A_54 = vector.broadcast %sqrt3A : vector<1024x1xf32> to vector<1024x768xf32>
    %div3A_55 = arith.divf %sub3A_50, %div3A_54 : vector<1024x768xf32>
    %mul3A_56 = vector.broadcast %get3A_33 : vector<1x768xf32> to vector<1024x768xf32>
    %mul3A_57 = arith.mulf %div3A_55, %mul3A_56 : vector<1024x768xf32>
    %add3A_58 = vector.broadcast %get3A_36 : vector<1x768xf32> to vector<1024x768xf32>
    %add3A_59 = arith.addf %mul3A_57, %add3A_58 : vector<1024x768xf32>
    %swap3A = arith.constant 0 : index
    %swap3A_60 = arith.constant 0 : index
    %swap3A_61 = vector.load %arg5[%swap3A, %swap3A_60] : memref<1024x768xf32, #tpu.memory_space<vmem>>, vector<1024x768xf32>
    tpu.vector_store %arg5[%swap3A, %swap3A_60], %add3A_59 {strides = array<i32>} : memref<1024x768xf32, #tpu.memory_space<vmem>>, vector<1024x768xf32>,
    return
  }
}

</mosaic_0001>

<sc_bundles>
// kernel: kernel.12.cloned.1.call-start
scs
__scs_entry_jumppad:
0x0: {  	(pc) =	sbr.rel $0x88, $3  }
0x1: {  	(tag) =	ssettag $0x0;
	lr =	simm.s32 $0x1  }
0x2: {  	[smem:$0x3F8C] =	sst lr;
	_ =	strace $0xD0000000  }
0x3: {  	_ = 	snop  }
0x4: {  	_ = 	snop  }
0x5: {  	_ = 	snop  }
0x6: {  	_ = 	snop  }
0x7: {  	_ = 	snop  }
__scs_overlays_trampoline_lowered:
0x8: {  	[smem:$0x3F9B] =	sst s0  }
0x9: {  	[smem:$0x3F9C] =	sst s1  }
0xa: {  	[smem:$0x3F9D] =	sst s2  }
0xb: {  	[smem:$0x3F9E] =	sst s3  }
0xc: {  	[smem:$0x3F9F] =	sst s4  }
0xd: {  	[smem:$0x3FA0] =	sst s5  }
0xe: {  	[smem:$0x3FA1] =	sst s6  }
0xf: {  	[smem:$0x3FA2] =	sst s7  }
0x10: {  	[smem:$0x3FA3] =	sst s8  }
0x11: {  	[smem:$0x3FA4] =	sst s9;
	s0 =	simm.s32 @!p0 $0x0  }
0x12: {  	s1 =	sld [smem:$0x3F8A];
	s0 =	simm.s32 @p0 $0x1  }
0x13: {  	[smem:$0x3FA5] =	sst s0;
	s0 =	simm.s32 @!p1 $0x0  }
0x14: {  	s2 =	sld [smem:$0x3F89];
	s0 =	simm.s32 @p1 $0x1  }
0x15: {  	[smem:$0x3FA6] =	sst s0;
	s0 =	simm.s32 @!p2 $0x0  }
0x16: {  	s3 =	sld [smem:$0x3FDB];
	s0 =	simm.s32 @p2 $0x1  }
0x17: {  	s4 =	simm.s32 $0x1BF5;
	[smem:$0x3FA8] =	sst s0  }
0x18: {  	s0 =	sld [smem:$0x3F8B];
	_ =	swait.ge [sflag:s4], $0x0  }
0x19: {  	s7 =	sld [smem:$0x3F8C]  }
0x1a: {  	s8 =	sadd.s32 $0xFFFFE003, lr  }
0x1b: {  	s9 =	sadd.s32 $0xFFFFFEF7, lr;
	s5 =	simm.s32 $0xFFFFFFFF;
	p2 =	slt.u32 s8, $0xFFFFF086  }
0x1c: {  	p1 =	slt.u32 s9, $0xF7A;
	s5 =	simm.s32 @!p2 $0x0  }
0x1d: {  	s5 =	simm.s32 @p1 $0x1;
	p0 =	seq.s32 s7, s2  }
0x1e: {  	s7 =	smul.u32 @!p0 $0xF7A, s2;
	p2 =	seq.s32 @!p0 s5, $0x0  }
0x1f: {  	s9 =	smul.u32 $0xF7A, s1;
	s8 =	simm.s32 @!p0 $0x1BF5;
	p2 =	por !p2, p0  }
0x20: {  	[sflag:s8] =	ssyncset.s32 @!p0 $0xFFFFF086;
	s6 =	sadd.s32 @!p0 s3, s7;
	s7 =	simm.s32 @!p0 $0x108  }
0x21: {  	s3 =	sadd.s32 s3, s9;
	s6 =	sadd.s32 @!p0 $0x88, s6;
	s7 =	simm.s32 @p2 $0x1082  }
0x22: {  	[simem:s7], [sflag:s8] =	dma.local @!p0 [hbm:s6], $0xF7A  }
0x23: {  	s9 =	sor.u32 $0xD0000000, s2;
	s6 =	simm.s32 $0x108;
	_ =	swait.ge @!p0 [sflag:s8], $0x0  }
0x24: {  	s3 =	sadd.s32 $0x88, s3;
	s6 =	simm.s32 @!p1 $0x1082;
	[sflag:s4] =	ssyncset.s32 $0xFFFFF086  }
0x25: {  	[simem:s6], [sflag:s4] =	dma.local [hbm:s3], $0xF7A  }
0x26: {  	[smem:$0x3F8C] =	sst s1;
	(tag) =	ssettag s2;
	_ =	strace s9  }
0x27: {  	s1 =	sld [smem:$0x3F9C]  }
0x28: {  	s2 =	sld [smem:$0x3F9D]  }
0x29: {  	s4 =	sld [smem:$0x3F9F]  }
0x2a: {  	p0 =	seq.s32 s5, $0x0;
	s5 =	sld [smem:$0x3FA0]  }
0x2b: {  	s6 =	sld [smem:$0x3FA1]  }
0x2c: {  	s7 =	sld [smem:$0x3FA2]  }
0x2d: {  	s3 =	simm.s32 $0x108;
	s8 =	sld [smem:$0x3FA3]  }
0x2e: {  	s3 =	simm.s32 @!p0 $0x1082;
	s9 =	sld [smem:$0x3FA4]  }
0x2f: {  	lr =	sadd.s32 s0, s3;
	s0 =	sld [smem:$0x3F9B]  }
0x30: {  	s3 =	sld [smem:$0x3F9E]  }
0x31: {  	[smem:$0x3FA7] =	sst s10  }
0x32: {  	s10 =	sld [smem:$0x3FA5];
	_ =	sdelay $0x3  }
0x33: {  	p0 =	seq.s32 s10, $0x1;
	s10 =	sld [smem:$0x3FA7];
	_ =	sdelay $0x3  }
0x34: {  	[smem:$0x3FA7] =	sst s10  }
0x35: {  	s10 =	sld [smem:$0x3FA6];
	_ =	sdelay $0x3  }
0x36: {  	p1 =	seq.s32 s10, $0x1;
	s10 =	sld [smem:$0x3FA7];
	_ =	sdelay $0x3  }
0x37: {  	[smem:$0x3FA7] =	sst s10  }
0x38: {  	s10 =	sld [smem:$0x3FA8]  }
0x39: {  	_ = 	snop;
	(pc) =	sbr.ind lr, $3  }
0x3a: {  	_ = 	snop  }
0x3b: {  	_ = 	snop  }
0x3c: {  	p2 =	seq.s32 s10, $0x1;
	s10 =	sld [smem:$0x3FA7]  }
0x3d: {  	_ =	shalt  }
0x3e: {  	_ =	shalt  }
0x3f: {  	_ =	shalt  }
0x40: {  	_ =	shalt  }
0x41: {  	_ =	shalt  }
0x42: {  	_ =	shalt  }
0x43: {  	_ =	shalt  }
0x44: {  	_ =	shalt  }
0x45: {  	_ =	shalt  }
0x46: {  	_ =	shalt  }
0x47: {  	_ =	shalt  }
0x48: {  	_ =	shalt  }
0x49: {  	_ =	shalt  }
0x4a: {  	_ =	shalt  }
0x4b: {  	_ =	shalt  }
0x4c: {  	_ =	shalt  }
0x4d: {  	_ =	shalt  }
0x4e: {  	_ =	shalt  }
0x4f: {  	_ =	shalt  }
0x50: {  	_ =	shalt  }
0x51: {  	_ =	shalt  }
0x52: {  	_ =	shalt  }
0x53: {  	_ =	shalt  }
0x54: {  	_ =	shalt  }
0x55: {  	_ =	shalt  }
0x56: {  	_ =	shalt  }
0x57: {  	_ =	shalt  }
0x58: {  	_ =	shalt  }
0x59: {  	_ =	shalt  }
0x5a: {  	_ =	shalt  }
0x5b: {  	_ =	shalt  }
0x5c: {  	_ =	shalt  }
0x5d: {  	_ =	shalt  }
0x5e: {  	_ =	shalt  }
0x5f: {  	_ =	shalt  }
0x60: {  	_ =	shalt  }
0x61: {  	_ =	shalt  }
0x62: {  	_ =	shalt  }
0x63: {  	_ =	shalt  }
0x64: {  	_ =	shalt  }
0x65: {  	_ =	shalt  }
0x66: {  	_ =	shalt  }
0x67: {  	_ =	shalt  }
0x68: {  	_ =	shalt  }
0x69: {  	_ =	shalt  }
0x6a: {  	_ =	shalt  }
0x6b: {  	_ =	shalt  }
0x6c: {  	_ =	shalt  }
0x6d: {  	_ =	shalt  }
0x6e: {  	_ =	shalt  }
0x6f: {  	_ =	shalt  }
0x70: {  	_ =	shalt  }
0x71: {  	_ =	shalt  }
0x72: {  	_ =	shalt  }
0x73: {  	_ =	shalt  }
0x74: {  	_ =	shalt  }
0x75: {  	_ =	shalt  }
0x76: {  	_ =	shalt  }
0x77: {  	_ =	shalt  }
0x78: {  	_ =	shalt  }
0x79: {  	_ =	shalt  }
0x7a: {  	_ =	shalt  }
0x7b: {  	_ =	shalt  }
0x7c: {  	_ =	shalt  }
0x7d: {  	_ =	shalt  }
0x7e: {  	_ =	shalt  }
0x7f: {  	_ =	shalt  }
0x80: {  	_ =	shalt  }
0x81: {  	_ =	shalt  }
0x82: {  	_ =	shalt  }
0x83: {  	_ =	shalt  }
0x84: {  	_ =	shalt  }
0x85: {  	_ =	shalt  }
0x86: {  	_ =	shalt  }
0x87: {  	_ =	shalt  }
.Lfunc_end0:
.L_simem_size_0:
called_computation.1_lowered:
.L_overlay_start_0:
0x88: {  	s2 =	sld [smem:$0x3FD9]  }
0x89: {  	s3 =	sld [smem:$0x3FFE];
	_ =	sdelay $0x1  }
0x8a: {  	s1 =	srdreg.scid  }
0x8b: {  	s0 =	sand.u32 $0x1, s1  }
0x8c: {  	s16 =	sshll.u32 s0, $0xA;
	s2 =	sadd.s32 s3, s2  }
0x8d: {  	s2 =	sadd.s32 s2, s16  }
0x8e: {  	[smem:$0x3FB3] =	sst s2  }
0x8f: {  	_ = 	snop  }
0x90: {  	(tm) =	ssettm $0x1  }
0x91: {  	s17 =	sld [smem:$0x3FFB];
	_ =	sdelay $0x3  }
0x92: {  	_ =	strace s17  }
0x93: {  	s2 =	sld [smem:$0x3FFC];
	_ =	sdelay $0x3  }
0x94: {  	_ =	strace s2  }
0x95: {  	s2 =	sld [smem:$0x3FFD];
	_ =	sdelay $0x3  }
0x96: {  	_ =	strace s2  }
0x97: {  	_ =	strace $0x8FFFFFFF  }
0x98: {  	s18 =	sld [smem:$0x3FDB];
	_ =	sdelay $0x1  }
0x99: {  	s19 =	simm.s32 $_scs_section_size  }
0x9a: {  	s4 =	simm.s32 $_size__tile_overlayer_lowered;
	s5 =	simm.s32 $_tile_overlayer_lowered  }
0x9b: {  	s22 =	simm.s32 $0x1BFF;
	s21 =	sshll.u32 s5, $0x1;
	s2 =	sadd.s32 s19, s18  }
0x9c: {  	s6 =	simm.s32 $0x0;
	s20 =	sshll.u32 s4, $0x1;
	s4 =	sadd.s32 s21, s2  }
0x9d: {  	[timem:s6], [sflag:s22] =	dma.local [hbm:s4], s20  }
0x9e: {  	_ =	swait.ge [sflag:s22], s20  }
0x9f: {  	s3 =	ssub.s32 $0x0, s20;
	[sflag:s22] =	ssyncset.done $0x0  }
0xa0: {  	[sflag:s22] =	ssyncadd.s32 s3;
	_ =	sdelay $0x1  }
0xa1: {  	s23 =	simm.s32 $0x1B8B  }
0xa2: {  	_ =	swait.ge [sflag:s23], $0x1  }
0xa3: {  	[sflag:s23] =	ssyncset.done $0x0  }
0xa4: {  	s25 =	simm.s32 $0x1B8E;
	s24 =	sld [smem:$0x3FFE];
	[sflag:s23] =	ssyncadd.s32 $0xFFFFFFFF  }
0xa5: {  	s26 =	simm.s32 $execute0_lowered;
	[smem:$0x3FD2] =	sst s25  }
0xa6: {  	s4 =	sshll.u32 s26, $0x1;
	_ =	strace $0x80000049;
	[dreg:$0x1] =	wrdreg $0xFFFFFFFF  }
0xa7: {  	s28 =	simm.s32 $_size_execute0_lowered;
	s2 =	sadd.s32 s2, s4;
	[dreg:$0x0] =	wrdreg $0x0  }
0xa8: {  	s4 =	sshll.u32 s28, $0x1;
	[dreg:$0x2] =	wrdreg s2  }
0xa9: {  	[dreg:$0x3] =	wrdreg s4  }
0xaa: {  	[dreg:$0x4] =	wrdreg $0xC0  }
0xab: {  	_ =	task [dreg:s6], $0x5FFFF  }
0xac: {  	[dreg:$0x1] =	wrdreg $0xFFFFFFFF  }
0xad: {  	[dreg:$0x0] =	wrdreg $0x60  }
0xae: {  	[dreg:$0x2] =	wrdreg s24  }
0xaf: {  	[dreg:$0x3] =	wrdreg $0x9  }
0xb0: {  	_ =	task.clear_ibuf [dreg:s6], $0x4FFFF;
	_ =	strace $0x90000049  }
0xb1: {  	s29 =	simm.s32 $0x9;
	_ =	strace $0x8000004B  }
0xb2: {  	_ =	swait.ge [sflag:s29], $0x1  }
0xb3: {  	[sflag:s29] =	ssyncadd.s32 $0xFFFFFFFF  }
0xb4: {  	_ =	strace $0x9000004B  }
0xb5: {  	_ =	sfence  }
0xb6: {  	s30 =	sld [smem:$0x0];
	_ =	sdelay $0x2  }
0xb7: {  	s31 =	sshll.u32 s1, $0xD;
	s1 =	sshrl.u32 s1, $0x2  }
0xb8: {  	s3 =	sand.u32 $0x4000, s31;
	s1 =	sadd.s32 s1, s30  }
0xb9: {  	s0 =	sor.u32 s3, s0;
	s1 =	sshll.u32 s1, $0x11  }
0xba: {  	s0 =	sor.u32 s1, s0  }
0xbb: {  	s0 =	sadd.s32 $0x8F2B, s0  }
0xbc: {  	[sflag:s0] =	ssyncadd.remote.s32 $0x1  }
0xbd: {  	_ =	sfence.sel $0xFFFF  }
0xbe: {  	[dreg:$0x0] =	wrdreg $0xFFFFFFFF;
	(pc) =	sbr.abs _section_cstart, $3  }
0xbf: {  	[dreg:$0x1] =	wrdreg $0xFFFFFFFF  }
0xc0: {  	_ =	task.clear_ibuf [dreg:s6], $0x2FFFF;
	_ =	strace $0x9FFFFFFF  }
0xc1: {  	(tm) =	ssettm $0x7FFFFFFF  }
tec
execute0_lowered:
.L_overlay_start_1:
0x0: {  	(tag) =	ssettag $0x1  }
0x1: {  	s0 =	rddreg [dreg:$0x0]  }
0x2: {  	s2 =	srdreg.scid;
	s1 =	stileid.u32  }
0x3: {  	s8 =	simm.s32 $0x80;
	s26 =	simm.s32 $0x880;
	s9 =	simm.s32 $0x1080  }
0x4: {  	s10 =	simm.s32 $0x1880;
	s11 =	simm.s32 $0x2080;
	s12 =	simm.s32 $0x2880  }
0x5: {  	s13 =	simm.s32 $0x3080;
	s14 =	simm.s32 $0x3880;
	s15 =	simm.s32 $0x4080  }
0x6: {  	s16 =	simm.s32 $0x4880;
	s17 =	simm.s32 $0x5080;
	s18 =	simm.s32 $0x5880  }
0x7: {  	s19 =	simm.s32 $0x6080;
	s20 =	simm.s32 $0x6880;
	s21 =	simm.s32 $0x7080  }
0x8: {  	s22 =	simm.s32 $0x7880;
	s23 =	simm.s32 $0x8080;
	s24 =	simm.s32 $0x8880  }
0x9: {  	s28 =	simm.s32 $0xA080;
	s29 =	simm.s32 $0xA880;
	s30 =	simm.s32 $0xB080  }
0xa: {  	s31 =	simm.s32 $0xB880;
	s3 =	sand.u32 $0x1, s2;
	s2 =	simm.s32 $0x0  }
0xb: {  	s4 =	sshll.u32 s1, $0x4;
	s5 =	sshll.u32 s3, $0x3;
	[smem:$0x7FF] =	sst s2  }
0xc: {  	s6 =	ssub.s32 $0x2, s3;
	s3 =	sadd.s32 $0x2C00, s0;
	s4 =	sor.u32 s5, s4  }
0xd: {  	_ =	strace $0x8000004A;
	s7 =	sshrl.u32 s6, $0x1;
	[dreg:$0x4] =	wrdreg s26  }
0xe: {  	s26 =	simm.s32 $0x9880;
	s5 =	smul.u32 $0x300, s4;
	s4 =	sadd.s32 s4, s0  }
0xf: {  	s6 =	ssub.s32 s6, s7;
	s7 =	simm.s32 $0x2;
	s4 =	sadd.s32 $0x4B200, s4  }
0x10: {  	v2 =	vlaneseq.u32;
	s6 =	smax.u32 s6, $0x1;
	s5 =	sadd.s32 s5, s0;
	[dreg:$0x2] =	wrdreg s4  }
0x11: {  	vm0 =	vmmov $0xffff;
	v1 =	vshrl.u32 v2, $0x3;
	s4 =	sadd.s32 $0x2D00, s0;
	s25 =	sadd.s32 $0x4B400, s5;
	s5 =	sadd.s32 $0x2E00, s0  }
0x12: {  	v0 =	vand.u32 $0x7, v2;
	v2 =	vor.u32 $0x8, v2;
	v1 =	vmul.u32 $0x8, v1;
	s0 =	simm.s32 $0x1;
	[dreg:$0x3] =	wrdreg s25;
	s25 =	simm.s32 $0x9080  }
.LBB2_1:
0x13: {  	s1 =	rddreg [dreg:$0x2]  }
0x14: {  	[tilespmem:s2], [sflag:$0x2] =	stream.linear.gather [hbm4b:s1+s2], $0x40, $0x38;
	[tilespmem:$0xC080] =	vst v63  }
0x15: {  	_ =	swait.ge [sflag:s7], $0x40  }
0x16: {  	[sflag:s7] =	ssyncset.done $0x0  }
0x17: {  	[sflag:s7] =	ssyncadd.s32 $0xFFFFFFC0  }
0x18: {  	v3 =	vld [tilespmem:$0x0];
	_ =	sdelay $0x4  }
0x19: {  	v4 =	vshrl.u32 v3, $0x3  }
0x1a: {  	v4 =	vmul.u32 $0x30, v4  }
0x1b: {  	v3 =	vand.u32 $0x7, v3  }
0x1c: {  	v3 =	vor.u32 v3, v4  }
0x1d: {  	v4 =	vperm.xlane v3, v0;
	_ =	sdelay $0x1  }
0x1e: {  	v4 =	vadd.s32 v1, v4;
	_ =	sdelay $0x3  }
0x1f: {  	v3 =	vperm.xlane v3, v2  }
0x20: {  	[tilespmem:s8], [sflag:$0x1] =	stream.indirect_vreg.gather [hbm4b:s3+s2], $0x80, v4, vm0, $0xb8;
	[tilespmem:$0xC080] =	vst v63  }
0x21: {  	s1 =	rddreg [dreg:$0x4];
	v3 =	vadd.s32 v1, v3  }
0x22: {  	[tilespmem:s1], [sflag:$0x1] =	stream.indirect_vreg.gather [hbm4b:s4+s2], $0x80, v4, vm0, $0xb8;
	[tilespmem:$0xC080] =	vst v63  }
0x23: {  	_ = 	snop  }
0x24: {  	[tilespmem:s9], [sflag:$0x1] =	stream.indirect_vreg.gather [hbm4b:s5+s2], $0x80, v4, vm0, $0xb8;
	[tilespmem:$0xC080] =	vst v63  }
0x25: {  	_ = 	snop  }
0x26: {  	[tilespmem:s10], [sflag:$0x1] =	stream.indirect_vreg.gather [hbm4b:s3+s2], $0x80, v3, vm0, $0xb8;
	[tilespmem:$0xC080] =	vst v63  }
0x27: {  	_ = 	snop  }
0x28: {  	[tilespmem:s11], [sflag:$0x1] =	stream.indirect_vreg.gather [hbm4b:s4+s2], $0x80, v3, vm0, $0xb8;
	[tilespmem:$0xC080] =	vst v63  }
0x29: {  	_ = 	snop  }
0x2a: {  	[tilespmem:s12], [sflag:$0x1] =	stream.indirect_vreg.gather [hbm4b:s5+s2], $0x80, v3, vm0, $0xb8;
	[tilespmem:$0xC080] =	vst v63  }
0x2b: {  	v3 =	vld [tilespmem:$0x10];
	_ =	sdelay $0x4  }
0x2c: {  	v61 =	vshrl.u32 v3, $0x3  }
0x2d: {  	v4 =	vmul.u32 $0x30, v61  }
0x2e: {  	v3 =	vand.u32 $0x7, v3  }
0x2f: {  	v3 =	vor.u32 v3, v4  }
0x30: {  	v4 =	vperm.xlane v3, v0;
	_ =	sdelay $0x1  }
0x31: {  	v4 =	vadd.s32 v1, v4;
	_ =	sdelay $0x3  }
0x32: {  	v3 =	vperm.xlane v3, v2  }
0x33: {  	[tilespmem:s13], [sflag:$0x1] =	stream.indirect_vreg.gather [hbm4b:s3+s2], $0x80, v4, vm0, $0xb8;
	[tilespmem:$0xC080] =	vst v63  }
0x34: {  	v3 =	vadd.s32 v1, v3  }
0x35: {  	[tilespmem:s14], [sflag:$0x1] =	stream.indirect_vreg.gather [hbm4b:s4+s2], $0x80, v4, vm0, $0xb8;
	[tilespmem:$0xC080] =	vst v63  }
0x36: {  	_ = 	snop  }
0x37: {  	[tilespmem:s15], [sflag:$0x1] =	stream.indirect_vreg.gather [hbm4b:s5+s2], $0x80, v4, vm0, $0xb8;
	[tilespmem:$0xC080] =	vst v63  }
0x38: {  	_ = 	snop  }
0x39: {  	[tilespmem:s16], [sflag:$0x1] =	stream.indirect_vreg.gather [hbm4b:s3+s2], $0x80, v3, vm0, $0xb8;
	[tilespmem:$0xC080] =	vst v63  }
0x3a: {  	_ = 	snop  }
0x3b: {  	[tilespmem:s17], [sflag:$0x1] =	stream.indirect_vreg.gather [hbm4b:s4+s2], $0x80, v3, vm0, $0xb8;
	[tilespmem:$0xC080] =	vst v63  }
0x3c: {  	_ = 	snop  }
0x3d: {  	[tilespmem:s18], [sflag:$0x1] =	stream.indirect_vreg.gather [hbm4b:s5+s2], $0x80, v3, vm0, $0xb8;
	[tilespmem:$0xC080] =	vst v63  }
0x3e: {  	v3 =	vld [tilespmem:$0x20];
	_ =	sdelay $0x4  }
0x3f: {  	v62 =	vshrl.u32 v3, $0x3  }
0x40: {  	v4 =	vmul.u32 $0x30, v62  }
0x41: {  	v3 =	vand.u32 $0x7, v3  }
0x42: {  	v3 =	vor.u32 v3, v4  }
0x43: {  	v4 =	vperm.xlane v3, v0;
	_ =	sdelay $0x1  }
0x44: {  	v4 =	vadd.s32 v1, v4;
	_ =	sdelay $0x3  }
0x45: {  	v3 =	vperm.xlane v3, v2  }
0x46: {  	[tilespmem:s19], [sflag:$0x1] =	stream.indirect_vreg.gather [hbm4b:s3+s2], $0x80, v4, vm0, $0xb8;
	[tilespmem:$0xC080] =	vst v63  }
0x47: {  	v3 =	vadd.s32 v1, v3  }
0x48: {  	[tilespmem:s20], [sflag:$0x1] =	stream.indirect_vreg.gather [hbm4b:s4+s2], $0x80, v4, vm0, $0xb8;
	[tilespmem:$0xC080] =	vst v63  }
0x49: {  	_ = 	snop  }
0x4a: {  	[tilespmem:s21], [sflag:$0x1] =	stream.indirect_vreg.gather [hbm4b:s5+s2], $0x80, v4, vm0, $0xb8;
	[tilespmem:$0xC080] =	vst v63  }
0x4b: {  	_ = 	snop  }
0x4c: {  	[tilespmem:s22], [sflag:$0x1] =	stream.indirect_vreg.gather [hbm4b:s3+s2], $0x80, v3, vm0, $0xb8;
	[tilespmem:$0xC080] =	vst v63  }
0x4d: {  	_ = 	snop  }
0x4e: {  	[tilespmem:s23], [sflag:$0x1] =	stream.indirect_vreg.gather [hbm4b:s4+s2], $0x80, v3, vm0, $0xb8;
	[tilespmem:$0xC080] =	vst v63  }
0x4f: {  	_ = 	snop  }
0x50: {  	[tilespmem:s24], [sflag:$0x1] =	stream.indirect_vreg.gather [hbm4b:s5+s2], $0x80, v3, vm0, $0xb8;
	[tilespmem:$0xC080] =	vst v63  }
0x51: {  	v3 =	vld [tilespmem:$0x30];
	_ =	sdelay $0x4  }
0x52: {  	v63 =	vshrl.u32 v3, $0x3  }
0x53: {  	v4 =	vmul.u32 $0x30, v63  }
0x54: {  	v3 =	vand.u32 $0x7, v3  }
0x55: {  	v3 =	vor.u32 v3, v4  }
0x56: {  	v4 =	vperm.xlane v3, v0;
	_ =	sdelay $0x1  }
0x57: {  	v4 =	vadd.s32 v1, v4;
	_ =	sdelay $0x3  }
0x58: {  	v3 =	vperm.xlane v3, v2  }
0x59: {  	[tilespmem:s25], [sflag:$0x1] =	stream.indirect_vreg.gather [hbm4b:s3+s2], $0x80, v4, vm0, $0xb8;
	[tilespmem:$0xC080] =	vst v63  }
0x5a: {  	v3 =	vadd.s32 v1, v3  }
0x5b: {  	[tilespmem:s26], [sflag:$0x1] =	stream.indirect_vreg.gather [hbm4b:s4+s2], $0x80, v4, vm0, $0xb8;
	[tilespmem:$0xC080] =	vst v63  }
0x5c: {  	_ = 	snop  }
0x5d: {  	[tilespmem:s28], [sflag:$0x1] =	stream.indirect_vreg.gather [hbm4b:s5+s2], $0x80, v4, vm0, $0xb8;
	[tilespmem:$0xC080] =	vst v63  }
0x5e: {  	_ = 	snop  }
0x5f: {  	[tilespmem:s29], [sflag:$0x1] =	stream.indirect_vreg.gather [hbm4b:s3+s2], $0x80, v3, vm0, $0xb8;
	[tilespmem:$0xC080] =	vst v63  }
0x60: {  	_ = 	snop  }
0x61: {  	[tilespmem:s30], [sflag:$0x1] =	stream.indirect_vreg.gather [hbm4b:s4+s2], $0x80, v3, vm0, $0xb8;
	[tilespmem:$0xC080] =	vst v63  }
0x62: {  	_ = 	snop  }
0x63: {  	[tilespmem:s31], [sflag:$0x1] =	stream.indirect_vreg.gather [hbm4b:s5+s2], $0x80, v3, vm0, $0xb8;
	[tilespmem:$0xC080] =	vst v63  }
0x64: {  	_ =	swait.ge [sflag:s0], $0xC000  }
0x65: {  	p0 =	sne.s32 s6, $0x1;
	[sflag:s0] =	ssyncset.done $0x0  }
.Ltmp0:
0x66: {  	s1 =	rddreg [dreg:$0x3];
	[sflag:s0] =	ssyncadd.s32 $0xFFFF4000;
	(pc) =	sbr.rel @p0 .LBB2_1-.Ltmp0, $4  }
0x67: {  	[hbm4b:s1+s2] =	stream.linear.scatter [tilespmem:s8], [sflag:$0x2], $0xC000, $0x38;
	[tilespmem:$0xC080] =	vst v63  }
0x68: {  	_ =	swait.ge [sflag:s7], $0xC000  }
0x69: {  	[sflag:s7] =	ssyncset.done $0x0  }
0x6a: {  	s6 =	sadd.s32 $0xFFFFFFFF, s6;
	[sflag:s7] =	ssyncadd.s32 $0xFFFF4000  }
0x6b: {  	_ =	sfence.sel $0x180000  }
0x6c: {  	[bflag:$0x0] =	sbarrier.arrive $0xFFFF  }
0x6d: {  	_ =	strace $0x9000004A  }
0x6e: {  	s0 =	stileid.u32;
	[bflag:$0x2] =	sbarrier.arrive $0xFFFF  }
0x6f: {  	p0 =	sne.s32 s0, $0x0;
	s0 =	rddreg [dreg:$0x1]  }
0x70: {  	s0 =	sadd.s32 @!p0 $0x100000, s0  }
0x71: {  	[sflag:s0] =	ssyncadd.tile.s32 @!p0 $0x1;
	_ =	shalt  }
.Lfunc_end2:
_tile_overlayer_lowered:
.L_overlay_start_2:
0x72: {  	(tag) =	ssettag $0x2  }
0x73: {  	s0 =	rddreg [dreg:$0x0];
	s2 =	stileid.u32  }
0x74: {  	s1 =	rddreg [dreg:$0x1];
	p0 =	sne.s32 s2, $0x0  }
0x75: {  	s3 =	rddreg [dreg:$0x2];
	[bflag:$0x3] =	sbarrier.arrive $0xFFFF;
	s2 =	simm.s32 @!p0 $0x1C02  }
0x76: {  	[timem:s3], [sflag:s2] =	dma.local @!p0 [hbm:s0], s1  }
0x77: {  	s0 =	simm.s32 @!p0 $0x2  }
0x78: {  	_ =	swait.ge @!p0 [sflag:s0], s1  }
0x79: {  	s1 =	ssub.s32 @!p0 $0x0, s1;
	[sflag:s0] =	ssyncset.done @!p0 $0x0  }
0x7a: {  	[sflag:s0] =	ssyncadd.s32 @!p0 s1  }
0x7b: {  	[bflag:$0x3] =	sbarrier.arrive $0xFFFF  }
0x7c: {  	_ =	shalt  }

// kernel: kernel.9.cloned.1.call-start
scs
__scs_entry_jumppad:
0x0: {  	(pc) =	sbr.rel $0x88, $3  }
0x1: {  	(tag) =	ssettag $0x0;
	lr =	simm.s32 $0x1  }
0x2: {  	[smem:$0x3F8C] =	sst lr;
	_ =	strace $0xD0000000  }
0x3: {  	_ = 	snop  }
0x4: {  	_ = 	snop  }
0x5: {  	_ = 	snop  }
0x6: {  	_ = 	snop  }
0x7: {  	_ = 	snop  }
__scs_overlays_trampoline_lowered:
0x8: {  	[smem:$0x3F9B] =	sst s0  }
0x9: {  	[smem:$0x3F9C] =	sst s1  }
0xa: {  	[smem:$0x3F9D] =	sst s2  }
0xb: {  	[smem:$0x3F9E] =	sst s3  }
0xc: {  	[smem:$0x3F9F] =	sst s4  }
0xd: {  	[smem:$0x3FA0] =	sst s5  }
0xe: {  	[smem:$0x3FA1] =	sst s6  }
0xf: {  	[smem:$0x3FA2] =	sst s7  }
0x10: {  	[smem:$0x3FA3] =	sst s8  }
0x11: {  	[smem:$0x3FA4] =	sst s9;
	s0 =	simm.s32 @!p0 $0x0  }
0x12: {  	s1 =	sld [smem:$0x3F8A];
	s0 =	simm.s32 @p0 $0x1  }
0x13: {  	[smem:$0x3FA5] =	sst s0;
	s0 =	simm.s32 @!p1 $0x0  }
0x14: {  	s2 =	sld [smem:$0x3F89];
	s0 =	simm.s32 @p1 $0x1  }
0x15: {  	[smem:$0x3FA6] =	sst s0;
	s0 =	simm.s32 @!p2 $0x0  }
0x16: {  	s3 =	sld [smem:$0x3FDB];
	s0 =	simm.s32 @p2 $0x1  }
0x17: {  	s4 =	simm.s32 $0x1BF5;
	[smem:$0x3FA8] =	sst s0  }
0x18: {  	s0 =	sld [smem:$0x3F8B];
	_ =	swait.ge [sflag:s4], $0x0  }
0x19: {  	s7 =	sld [smem:$0x3F8C]  }
0x1a: {  	s8 =	sadd.s32 $0xFFFFE003, lr  }
0x1b: {  	s9 =	sadd.s32 $0xFFFFFEF7, lr;
	s5 =	simm.s32 $0xFFFFFFFF;
	p2 =	slt.u32 s8, $0xFFFFF086  }
0x1c: {  	p1 =	slt.u32 s9, $0xF7A;
	s5 =	simm.s32 @!p2 $0x0  }
0x1d: {  	s5 =	simm.s32 @p1 $0x1;
	p0 =	seq.s32 s7, s2  }
0x1e: {  	s7 =	smul.u32 @!p0 $0xF7A, s2;
	p2 =	seq.s32 @!p0 s5, $0x0  }
0x1f: {  	s9 =	smul.u32 $0xF7A, s1;
	s8 =	simm.s32 @!p0 $0x1BF5;
	p2 =	por !p2, p0  }
0x20: {  	[sflag:s8] =	ssyncset.s32 @!p0 $0xFFFFF086;
	s6 =	sadd.s32 @!p0 s3, s7;
	s7 =	simm.s32 @!p0 $0x108  }
0x21: {  	s3 =	sadd.s32 s3, s9;
	s6 =	sadd.s32 @!p0 $0x88, s6;
	s7 =	simm.s32 @p2 $0x1082  }
0x22: {  	[simem:s7], [sflag:s8] =	dma.local @!p0 [hbm:s6], $0xF7A  }
0x23: {  	s9 =	sor.u32 $0xD0000000, s2;
	s6 =	simm.s32 $0x108;
	_ =	swait.ge @!p0 [sflag:s8], $0x0  }
0x24: {  	s3 =	sadd.s32 $0x88, s3;
	s6 =	simm.s32 @!p1 $0x1082;
	[sflag:s4] =	ssyncset.s32 $0xFFFFF086  }
0x25: {  	[simem:s6], [sflag:s4] =	dma.local [hbm:s3], $0xF7A  }
0x26: {  	[smem:$0x3F8C] =	sst s1;
	(tag) =	ssettag s2;
	_ =	strace s9  }
0x27: {  	s1 =	sld [smem:$0x3F9C]  }
0x28: {  	s2 =	sld [smem:$0x3F9D]  }
0x29: {  	s4 =	sld [smem:$0x3F9F]  }
0x2a: {  	p0 =	seq.s32 s5, $0x0;
	s5 =	sld [smem:$0x3FA0]  }
0x2b: {  	s6 =	sld [smem:$0x3FA1]  }
0x2c: {  	s7 =	sld [smem:$0x3FA2]  }
0x2d: {  	s3 =	simm.s32 $0x108;
	s8 =	sld [smem:$0x3FA3]  }
0x2e: {  	s3 =	simm.s32 @!p0 $0x1082;
	s9 =	sld [smem:$0x3FA4]  }
0x2f: {  	lr =	sadd.s32 s0, s3;
	s0 =	sld [smem:$0x3F9B]  }
0x30: {  	s3 =	sld [smem:$0x3F9E]  }
0x31: {  	[smem:$0x3FA7] =	sst s10  }
0x32: {  	s10 =	sld [smem:$0x3FA5];
	_ =	sdelay $0x3  }
0x33: {  	p0 =	seq.s32 s10, $0x1;
	s10 =	sld [smem:$0x3FA7];
	_ =	sdelay $0x3  }
0x34: {  	[smem:$0x3FA7] =	sst s10  }
0x35: {  	s10 =	sld [smem:$0x3FA6];
	_ =	sdelay $0x3  }
0x36: {  	p1 =	seq.s32 s10, $0x1;
	s10 =	sld [smem:$0x3FA7];
	_ =	sdelay $0x3  }
0x37: {  	[smem:$0x3FA7] =	sst s10  }
0x38: {  	s10 =	sld [smem:$0x3FA8]  }
0x39: {  	_ = 	snop;
	(pc) =	sbr.ind lr, $3  }
0x3a: {  	_ = 	snop  }
0x3b: {  	_ = 	snop  }
0x3c: {  	p2 =	seq.s32 s10, $0x1;
	s10 =	sld [smem:$0x3FA7]  }
0x3d: {  	_ =	shalt  }
0x3e: {  	_ =	shalt  }
0x3f: {  	_ =	shalt  }
0x40: {  	_ =	shalt  }
0x41: {  	_ =	shalt  }
0x42: {  	_ =	shalt  }
0x43: {  	_ =	shalt  }
0x44: {  	_ =	shalt  }
0x45: {  	_ =	shalt  }
0x46: {  	_ =	shalt  }
0x47: {  	_ =	shalt  }
0x48: {  	_ =	shalt  }
0x49: {  	_ =	shalt  }
0x4a: {  	_ =	shalt  }
0x4b: {  	_ =	shalt  }
0x4c: {  	_ =	shalt  }
0x4d: {  	_ =	shalt  }
0x4e: {  	_ =	shalt  }
0x4f: {  	_ =	shalt  }
0x50: {  	_ =	shalt  }
0x51: {  	_ =	shalt  }
0x52: {  	_ =	shalt  }
0x53: {  	_ =	shalt  }
0x54: {  	_ =	shalt  }
0x55: {  	_ =	shalt  }
0x56: {  	_ =	shalt  }
0x57: {  	_ =	shalt  }
0x58: {  	_ =	shalt  }
0x59: {  	_ =	shalt  }
0x5a: {  	_ =	shalt  }
0x5b: {  	_ =	shalt  }
0x5c: {  	_ =	shalt  }
0x5d: {  	_ =	shalt  }
0x5e: {  	_ =	shalt  }
0x5f: {  	_ =	shalt  }
0x60: {  	_ =	shalt  }
0x61: {  	_ =	shalt  }
0x62: {  	_ =	shalt  }
0x63: {  	_ =	shalt  }
0x64: {  	_ =	shalt  }
0x65: {  	_ =	shalt  }
0x66: {  	_ =	shalt  }
0x67: {  	_ =	shalt  }
0x68: {  	_ =	shalt  }
0x69: {  	_ =	shalt  }
0x6a: {  	_ =	shalt  }
0x6b: {  	_ =	shalt  }
0x6c: {  	_ =	shalt  }
0x6d: {  	_ =	shalt  }
0x6e: {  	_ =	shalt  }
0x6f: {  	_ =	shalt  }
0x70: {  	_ =	shalt  }
0x71: {  	_ =	shalt  }
0x72: {  	_ =	shalt  }
0x73: {  	_ =	shalt  }
0x74: {  	_ =	shalt  }
0x75: {  	_ =	shalt  }
0x76: {  	_ =	shalt  }
0x77: {  	_ =	shalt  }
0x78: {  	_ =	shalt  }
0x79: {  	_ =	shalt  }
0x7a: {  	_ =	shalt  }
0x7b: {  	_ =	shalt  }
0x7c: {  	_ =	shalt  }
0x7d: {  	_ =	shalt  }
0x7e: {  	_ =	shalt  }
0x7f: {  	_ =	shalt  }
0x80: {  	_ =	shalt  }
0x81: {  	_ =	shalt  }
0x82: {  	_ =	shalt  }
0x83: {  	_ =	shalt  }
0x84: {  	_ =	shalt  }
0x85: {  	_ =	shalt  }
0x86: {  	_ =	shalt  }
0x87: {  	_ =	shalt  }
.Lfunc_end0:
.L_simem_size_0:
called_computation_lowered:
.L_overlay_start_0:
0x88: {  	s2 =	sld [smem:$0x3FD9]  }
0x89: {  	s3 =	sld [smem:$0x3FFE];
	_ =	sdelay $0x1  }
0x8a: {  	s1 =	srdreg.scid  }
0x8b: {  	s0 =	sand.u32 $0x1, s1  }
0x8c: {  	s17 =	sshll.u32 s0, $0xA;
	s2 =	sadd.s32 s3, s2  }
0x8d: {  	s2 =	sadd.s32 s2, s17  }
0x8e: {  	[smem:$0x3FB3] =	sst s2  }
0x8f: {  	_ = 	snop  }
0x90: {  	s2 =	sld [smem:$0x3FD0];
	(tm) =	ssettm $0x1  }
0x91: {  	s18 =	sld [smem:$0x3FFB];
	_ =	sdelay $0x3  }
0x92: {  	_ =	strace s18  }
0x93: {  	s3 =	sld [smem:$0x3FFC];
	_ =	sdelay $0x3  }
0x94: {  	_ =	strace s3  }
0x95: {  	s3 =	sld [smem:$0x3FFD];
	_ =	sdelay $0x3  }
0x96: {  	_ =	strace s3  }
0x97: {  	_ =	strace $0x8FFFFFFF  }
0x98: {  	s19 =	sld [smem:$0x3FDB];
	_ =	sdelay $0x1  }
0x99: {  	s4 =	simm.s32 $_scs_section_size  }
0x9a: {  	s5 =	simm.s32 $_size__tile_overlayer_lowered;
	s6 =	simm.s32 $_tile_overlayer_lowered  }
0x9b: {  	s22 =	simm.s32 $0x1BFF;
	s21 =	sshll.u32 s6, $0x1;
	s3 =	sadd.s32 s4, s19  }
0x9c: {  	s7 =	simm.s32 $0x0;
	s20 =	sshll.u32 s5, $0x1;
	s5 =	sadd.s32 s21, s3  }
0x9d: {  	[timem:s7], [sflag:s22] =	dma.local [hbm:s5], s20  }
0x9e: {  	_ =	swait.ge [sflag:s22], s20  }
0x9f: {  	s4 =	ssub.s32 $0x0, s20;
	[sflag:s22] =	ssyncset.done $0x0  }
0xa0: {  	[sflag:s22] =	ssyncadd.s32 s4;
	_ =	sdelay $0x1  }
0xa1: {  	s23 =	simm.s32 $0x1B8B  }
0xa2: {  	_ =	swait.ge [sflag:s23], $0x1  }
0xa3: {  	[sflag:s23] =	ssyncset.done $0x0  }
0xa4: {  	s25 =	simm.s32 $0x1B8E;
	s24 =	sld [smem:$0x3FFE];
	[sflag:s23] =	ssyncadd.s32 $0xFFFFFFFF  }
0xa5: {  	s26 =	simm.s32 $execute0_lowered;
	[smem:$0x3FD2] =	sst s25  }
0xa6: {  	s5 =	sshll.u32 s26, $0x1;
	_ =	strace $0x80000046;
	[dreg:$0x1] =	wrdreg $0xFFFFFFFF  }
0xa7: {  	s28 =	simm.s32 $_size_execute0_lowered;
	s3 =	sadd.s32 s3, s5;
	[dreg:$0x0] =	wrdreg $0x0  }
0xa8: {  	s5 =	sshll.u32 s28, $0x1;
	[dreg:$0x2] =	wrdreg s3  }
0xa9: {  	[dreg:$0x3] =	wrdreg s5  }
0xaa: {  	[dreg:$0x4] =	wrdreg $0xC0  }
0xab: {  	_ =	task [dreg:s7], $0x5FFFF  }
0xac: {  	[dreg:$0x1] =	wrdreg $0xFFFFFFFF  }
0xad: {  	[dreg:$0x0] =	wrdreg $0x60  }
0xae: {  	[dreg:$0x2] =	wrdreg s2  }
0xaf: {  	[dreg:$0x3] =	wrdreg s24  }
0xb0: {  	[dreg:$0x4] =	wrdreg $0x9  }
0xb1: {  	_ =	task.clear_ibuf [dreg:s7], $0x5FFFF;
	_ =	strace $0x90000046  }
0xb2: {  	s29 =	simm.s32 $0x9;
	_ =	strace $0x80000048  }
0xb3: {  	_ =	swait.ge [sflag:s29], $0x1  }
0xb4: {  	[sflag:s29] =	ssyncadd.s32 $0xFFFFFFFF  }
0xb5: {  	_ =	strace $0x90000048  }
0xb6: {  	_ =	sfence  }
0xb7: {  	s30 =	sld [smem:$0x0];
	_ =	sdelay $0x2  }
0xb8: {  	s31 =	sshll.u32 s1, $0xD;
	s1 =	sshrl.u32 s1, $0x2  }
0xb9: {  	s3 =	sand.u32 $0x4000, s31;
	s1 =	sadd.s32 s1, s30  }
0xba: {  	s0 =	sor.u32 s3, s0;
	s1 =	sshll.u32 s1, $0x11  }
0xbb: {  	s0 =	sor.u32 s1, s0  }
0xbc: {  	s0 =	sadd.s32 $0x8F2B, s0  }
0xbd: {  	[sflag:s0] =	ssyncadd.remote.s32 $0x1  }
0xbe: {  	_ =	sfence.sel $0xFFFF  }
0xbf: {  	[dreg:$0x0] =	wrdreg $0xFFFFFFFF;
	(pc) =	sbr.abs _section_cstart, $3  }
0xc0: {  	[dreg:$0x1] =	wrdreg $0xFFFFFFFF  }
0xc1: {  	_ =	task.clear_ibuf [dreg:s7], $0x2FFFF;
	_ =	strace $0x9FFFFFFF  }
0xc2: {  	(tm) =	ssettm $0x7FFFFFFF  }
0xc3: {  	_ =	shalt  }
tec
execute0_lowered:
.L_overlay_start_1:
0x0: {  	(tag) =	ssettag $0x1  }
0x1: {  	s1 =	srdreg.scid;
	s0 =	stileid.u32  }
0x2: {  	s2 =	rddreg [dreg:$0x0];
	s1 =	sand.u32 $0x1, s1;
	s3 =	sshll.u32 s0, $0x1  }
0x3: {  	s5 =	rddreg [dreg:$0x1];
	s4 =	sor.u32 s1, s3;
	s3 =	simm.s32 $0x0  }
0x4: {  	s14 =	simm.s32 $0x880;
	s15 =	simm.s32 $0x1080;
	[smem:$0x7FF] =	sst s3  }
0x5: {  	s16 =	simm.s32 $0x1880;
	_ =	strace $0x80000047;
	[dreg:$0x5] =	wrdreg s14  }
0x6: {  	s17 =	simm.s32 $0x2080;
	s18 =	simm.s32 $0x2880;
	[dreg:$0x6] =	wrdreg s15  }
0x7: {  	s19 =	simm.s32 $0x3080;
	s21 =	simm.s32 $0x3880;
	[dreg:$0x7] =	wrdreg s16  }
0x8: {  	s22 =	simm.s32 $0x4080;
	s23 =	simm.s32 $0x4880;
	[dreg:$0x8] =	wrdreg s17  }
0x9: {  	s7 =	simm.s32 $0x5080;
	s24 =	simm.s32 $0x5880;
	[dreg:$0x9] =	wrdreg s18  }
0xa: {  	s25 =	simm.s32 $0x6080;
	s8 =	simm.s32 $0x80;
	[dreg:$0xa] =	wrdreg s19  }
0xb: {  	s26 =	simm.s32 $0x6880;
	s10 =	simm.s32 $0x7880;
	[dreg:$0xb] =	wrdreg s21  }
0xc: {  	s11 =	simm.s32 $0x8080;
	s12 =	simm.s32 $0x8880;
	[dreg:$0xc] =	wrdreg s22  }
0xd: {  	s28 =	simm.s32 $0x10080;
	s29 =	simm.s32 $0x10880;
	[dreg:$0xd] =	wrdreg s23  }
0xe: {  	s30 =	simm.s32 $0x11080;
	s31 =	simm.s32 $0x11880;
	[dreg:$0xe] =	wrdreg s7  }
0xf: {  	s1 =	ssub.s32 $0x2, s1;
	s6 =	smul.u32 $0xC, s4;
	[dreg:$0xf] =	wrdreg s24  }
0x10: {  	s4 =	smul.u32 $0x2400, s4;
	s20 =	sshrl.u32 s1, $0x1;
	[dreg:$0x10] =	wrdreg s25  }
0x11: {  	s1 =	ssub.s32 s1, s20;
	s7 =	simm.s32 $0x2;
	[dreg:$0x11] =	wrdreg s26  }
0x12: {  	s14 =	simm.s32 $0x9880;
	s15 =	simm.s32 $0xA080;
	s16 =	simm.s32 $0xA880  }
0x13: {  	s17 =	simm.s32 $0xB080;
	s18 =	simm.s32 $0xB880;
	s19 =	simm.s32 $0xC080  }
0x14: {  	s20 =	simm.s32 $0xC880;
	s21 =	simm.s32 $0xD080;
	s22 =	simm.s32 $0xD880  }
0x15: {  	s23 =	simm.s32 $0xE080;
	s24 =	simm.s32 $0xE880;
	s25 =	simm.s32 $0xF080  }
0x16: {  	s26 =	simm.s32 $0xF880;
	s6 =	sadd.s32 s6, s5;
	s4 =	sadd.s32 s4, s5  }
0x17: {  	v2 =	vlaneseq.u32;
	s5 =	sadd.s32 $0x200, s2;
	s13 =	sadd.s32 $0x2C00, s6;
	s4 =	sadd.s32 $0x2E00, s4  }
0x18: {  	vm0 =	vmmov $0xffff;
	v1 =	vshrl.u32 v2, $0x3;
	s6 =	smax.u32 s1, $0x1;
	s1 =	simm.s32 $0x1;
	[dreg:$0x3] =	wrdreg s13  }
0x19: {  	v0 =	vand.u32 $0x7, v2;
	v2 =	vor.u32 $0x8, v2;
	v1 =	vmul.u32 $0x8, v1;
	[dreg:$0x4] =	wrdreg s4;
	s4 =	sadd.s32 $0x100, s2;
	s13 =	simm.s32 $0x9080  }
.LBB2_1:
0x1a: {  	s0 =	rddreg [dreg:$0x3]  }
0x1b: {  	[tilespmem:s3], [sflag:$0x2] =	stream.linear.gather [hbm4b:s0+s3], $0x60, $0x38;
	[tilespmem:$0x12080] =	vst v63  }
0x1c: {  	_ =	swait.ge [sflag:s7], $0x60  }
0x1d: {  	[sflag:s7] =	ssyncset.done $0x0  }
0x1e: {  	[sflag:s7] =	ssyncadd.s32 $0xFFFFFFA0  }
0x1f: {  	v3 =	vld [tilespmem:$0x0];
	_ =	sdelay $0x4  }
0x20: {  	v4 =	vshrl.u32 v3, $0x3  }
0x21: {  	v4 =	vmul.u32 $0x30, v4  }
0x22: {  	v3 =	vand.u32 $0x7, v3  }
0x23: {  	v3 =	vor.u32 v3, v4  }
0x24: {  	v4 =	vperm.xlane v3, v0;
	_ =	sdelay $0x1  }
0x25: {  	v4 =	vadd.s32 v1, v4;
	_ =	sdelay $0x3  }
0x26: {  	v3 =	vperm.xlane v3, v2  }
0x27: {  	[tilespmem:s8], [sflag:$0x1] =	stream.indirect_vreg.gather [hbm4b:s2+s3], $0x80, v4, vm0, $0xb8;
	[tilespmem:$0x12080] =	vst v63  }
0x28: {  	s0 =	rddreg [dreg:$0x5];
	v3 =	vadd.s32 v1, v3  }
0x29: {  	[tilespmem:s0], [sflag:$0x1] =	stream.indirect_vreg.gather [hbm4b:s4+s3], $0x80, v4, vm0, $0xb8;
	[tilespmem:$0x12080] =	vst v63  }
0x2a: {  	s9 =	rddreg [dreg:$0x6]  }
0x2b: {  	[tilespmem:s9], [sflag:$0x1] =	stream.indirect_vreg.gather [hbm4b:s5+s3], $0x80, v4, vm0, $0xb8;
	[tilespmem:$0x12080] =	vst v63  }
0x2c: {  	s0 =	rddreg [dreg:$0x7]  }
0x2d: {  	[tilespmem:s0], [sflag:$0x1] =	stream.indirect_vreg.gather [hbm4b:s2+s3], $0x80, v3, vm0, $0xb8;
	[tilespmem:$0x12080] =	vst v63  }
0x2e: {  	s9 =	rddreg [dreg:$0x8]  }
0x2f: {  	[tilespmem:s9], [sflag:$0x1] =	stream.indirect_vreg.gather [hbm4b:s4+s3], $0x80, v3, vm0, $0xb8;
	[tilespmem:$0x12080] =	vst v63  }
0x30: {  	s0 =	rddreg [dreg:$0x9]  }
0x31: {  	[tilespmem:s0], [sflag:$0x1] =	stream.indirect_vreg.gather [hbm4b:s5+s3], $0x80, v3, vm0, $0xb8;
	[tilespmem:$0x12080] =	vst v63  }
0x32: {  	v3 =	vld [tilespmem:$0x10];
	_ =	sdelay $0x4  }
0x33: {  	v59 =	vshrl.u32 v3, $0x3  }
0x34: {  	v4 =	vmul.u32 $0x30, v59  }
0x35: {  	v3 =	vand.u32 $0x7, v3  }
0x36: {  	v3 =	vor.u32 v3, v4  }
0x37: {  	v4 =	vperm.xlane v3, v0;
	_ =	sdelay $0x1  }
0x38: {  	v4 =	vadd.s32 v1, v4;
	_ =	sdelay $0x3  }
0x39: {  	s0 =	rddreg [dreg:$0xa];
	v3 =	vperm.xlane v3, v2  }
0x3a: {  	[tilespmem:s0], [sflag:$0x1] =	stream.indirect_vreg.gather [hbm4b:s2+s3], $0x80, v4, vm0, $0xb8;
	[tilespmem:$0x12080] =	vst v63  }
0x3b: {  	s9 =	rddreg [dreg:$0xb];
	v3 =	vadd.s32 v1, v3  }
0x3c: {  	[tilespmem:s9], [sflag:$0x1] =	stream.indirect_vreg.gather [hbm4b:s4+s3], $0x80, v4, vm0, $0xb8;
	[tilespmem:$0x12080] =	vst v63  }
0x3d: {  	s0 =	rddreg [dreg:$0xc]  }
0x3e: {  	[tilespmem:s0], [sflag:$0x1] =	stream.indirect_vreg.gather [hbm4b:s5+s3], $0x80, v4, vm0, $0xb8;
	[tilespmem:$0x12080] =	vst v63  }
0x3f: {  	s9 =	rddreg [dreg:$0xd]  }
0x40: {  	[tilespmem:s9], [sflag:$0x1] =	stream.indirect_vreg.gather [hbm4b:s2+s3], $0x80, v3, vm0, $0xb8;
	[tilespmem:$0x12080] =	vst v63  }
0x41: {  	s0 =	rddreg [dreg:$0xe]  }
0x42: {  	[tilespmem:s0], [sflag:$0x1] =	stream.indirect_vreg.gather [hbm4b:s4+s3], $0x80, v3, vm0, $0xb8;
	[tilespmem:$0x12080] =	vst v63  }
0x43: {  	s9 =	rddreg [dreg:$0xf]  }
0x44: {  	[tilespmem:s9], [sflag:$0x1] =	stream.indirect_vreg.gather [hbm4b:s5+s3], $0x80, v3, vm0, $0xb8;
	[tilespmem:$0x12080] =	vst v63  }
0x45: {  	v3 =	vld [tilespmem:$0x20];
	_ =	sdelay $0x4  }
0x46: {  	v60 =	vshrl.u32 v3, $0x3  }
0x47: {  	v4 =	vmul.u32 $0x30, v60  }
0x48: {  	v3 =	vand.u32 $0x7, v3  }
0x49: {  	v3 =	vor.u32 v3, v4  }
0x4a: {  	v4 =	vperm.xlane v3, v0;
	_ =	sdelay $0x1  }
0x4b: {  	v4 =	vadd.s32 v1, v4;
	_ =	sdelay $0x3  }
0x4c: {  	s0 =	rddreg [dreg:$0x10];
	v3 =	vperm.xlane v3, v2  }
0x4d: {  	[tilespmem:s0], [sflag:$0x1] =	stream.indirect_vreg.gather [hbm4b:s2+s3], $0x80, v4, vm0, $0xb8;
	[tilespmem:$0x12080] =	vst v63  }
0x4e: {  	s9 =	rddreg [dreg:$0x11];
	v3 =	vadd.s32 v1, v3  }
0x4f: {  	[tilespmem:s9], [sflag:$0x1] =	stream.indirect_vreg.gather [hbm4b:s4+s3], $0x80, v4, vm0, $0xb8;
	[tilespmem:$0x12080] =	vst v63  }
0x50: {  	s9 =	simm.s32 $0x7080  }
0x51: {  	[tilespmem:s9], [sflag:$0x1] =	stream.indirect_vreg.gather [hbm4b:s5+s3], $0x80, v4, vm0, $0xb8;
	[tilespmem:$0x12080] =	vst v63  }
0x52: {  	_ = 	snop  }
0x53: {  	[tilespmem:s10], [sflag:$0x1] =	stream.indirect_vreg.gather [hbm4b:s2+s3], $0x80, v3, vm0, $0xb8;
	[tilespmem:$0x12080] =	vst v63  }
0x54: {  	_ = 	snop  }
0x55: {  	[tilespmem:s11], [sflag:$0x1] =	stream.indirect_vreg.gather [hbm4b:s4+s3], $0x80, v3, vm0, $0xb8;
	[tilespmem:$0x12080] =	vst v63  }
0x56: {  	_ = 	snop  }
0x57: {  	[tilespmem:s12], [sflag:$0x1] =	stream.indirect_vreg.gather [hbm4b:s5+s3], $0x80, v3, vm0, $0xb8;
	[tilespmem:$0x12080] =	vst v63  }
0x58: {  	v3 =	vld [tilespmem:$0x30];
	_ =	sdelay $0x4  }
0x59: {  	v61 =	vshrl.u32 v3, $0x3  }
0x5a: {  	v4 =	vmul.u32 $0x30, v61  }
0x5b: {  	v3 =	vand.u32 $0x7, v3  }
0x5c: {  	v3 =	vor.u32 v3, v4  }
0x5d: {  	v4 =	vperm.xlane v3, v0;
	_ =	sdelay $0x1  }
0x5e: {  	v4 =	vadd.s32 v1, v4;
	_ =	sdelay $0x3  }
0x5f: {  	v3 =	vperm.xlane v3, v2  }
0x60: {  	[tilespmem:s13], [sflag:$0x1] =	stream.indirect_vreg.gather [hbm4b:s2+s3], $0x80, v4, vm0, $0xb8;
	[tilespmem:$0x12080] =	vst v63  }
0x61: {  	v3 =	vadd.s32 v1, v3  }
0x62: {  	[tilespmem:s14], [sflag:$0x1] =	stream.indirect_vreg.gather [hbm4b:s4+s3], $0x80, v4, vm0, $0xb8;
	[tilespmem:$0x12080] =	vst v63  }
0x63: {  	_ = 	snop  }
0x64: {  	[tilespmem:s15], [sflag:$0x1] =	stream.indirect_vreg.gather [hbm4b:s5+s3], $0x80, v4, vm0, $0xb8;
	[tilespmem:$0x12080] =	vst v63  }
0x65: {  	_ = 	snop  }
0x66: {  	[tilespmem:s16], [sflag:$0x1] =	stream.indirect_vreg.gather [hbm4b:s2+s3], $0x80, v3, vm0, $0xb8;
	[tilespmem:$0x12080] =	vst v63  }
0x67: {  	_ = 	snop  }
0x68: {  	[tilespmem:s17], [sflag:$0x1] =	stream.indirect_vreg.gather [hbm4b:s4+s3], $0x80, v3, vm0, $0xb8;
	[tilespmem:$0x12080] =	vst v63  }
0x69: {  	_ = 	snop  }
0x6a: {  	[tilespmem:s18], [sflag:$0x1] =	stream.indirect_vreg.gather [hbm4b:s5+s3], $0x80, v3, vm0, $0xb8;
	[tilespmem:$0x12080] =	vst v63  }
0x6b: {  	v3 =	vld [tilespmem:$0x40];
	_ =	sdelay $0x4  }
0x6c: {  	v62 =	vshrl.u32 v3, $0x3  }
0x6d: {  	v4 =	vmul.u32 $0x30, v62  }
0x6e: {  	v3 =	vand.u32 $0x7, v3  }
0x6f: {  	v3 =	vor.u32 v3, v4  }
0x70: {  	v4 =	vperm.xlane v3, v0;
	_ =	sdelay $0x1  }
0x71: {  	v4 =	vadd.s32 v1, v4;
	_ =	sdelay $0x3  }
0x72: {  	v3 =	vperm.xlane v3, v2  }
0x73: {  	[tilespmem:s19], [sflag:$0x1] =	stream.indirect_vreg.gather [hbm4b:s2+s3], $0x80, v4, vm0, $0xb8;
	[tilespmem:$0x12080] =	vst v63  }
0x74: {  	v3 =	vadd.s32 v1, v3  }
0x75: {  	[tilespmem:s20], [sflag:$0x1] =	stream.indirect_vreg.gather [hbm4b:s4+s3], $0x80, v4, vm0, $0xb8;
	[tilespmem:$0x12080] =	vst v63  }
0x76: {  	_ = 	snop  }
0x77: {  	[tilespmem:s21], [sflag:$0x1] =	stream.indirect_vreg.gather [hbm4b:s5+s3], $0x80, v4, vm0, $0xb8;
	[tilespmem:$0x12080] =	vst v63  }
0x78: {  	_ = 	snop  }
0x79: {  	[tilespmem:s22], [sflag:$0x1] =	stream.indirect_vreg.gather [hbm4b:s2+s3], $0x80, v3, vm0, $0xb8;
	[tilespmem:$0x12080] =	vst v63  }
0x7a: {  	_ = 	snop  }
0x7b: {  	[tilespmem:s23], [sflag:$0x1] =	stream.indirect_vreg.gather [hbm4b:s4+s3], $0x80, v3, vm0, $0xb8;
	[tilespmem:$0x12080] =	vst v63  }
0x7c: {  	_ = 	snop  }
0x7d: {  	[tilespmem:s24], [sflag:$0x1] =	stream.indirect_vreg.gather [hbm4b:s5+s3], $0x80, v3, vm0, $0xb8;
	[tilespmem:$0x12080] =	vst v63  }
0x7e: {  	v3 =	vld [tilespmem:$0x50];
	_ =	sdelay $0x4  }
0x7f: {  	v63 =	vshrl.u32 v3, $0x3  }
0x80: {  	v4 =	vmul.u32 $0x30, v63  }
0x81: {  	v3 =	vand.u32 $0x7, v3  }
0x82: {  	v3 =	vor.u32 v3, v4  }
0x83: {  	v4 =	vperm.xlane v3, v0;
	_ =	sdelay $0x1  }
0x84: {  	v4 =	vadd.s32 v1, v4;
	_ =	sdelay $0x3  }
0x85: {  	v3 =	vperm.xlane v3, v2  }
0x86: {  	[tilespmem:s25], [sflag:$0x1] =	stream.indirect_vreg.gather [hbm4b:s2+s3], $0x80, v4, vm0, $0xb8;
	[tilespmem:$0x12080] =	vst v63  }
0x87: {  	v3 =	vadd.s32 v1, v3  }
0x88: {  	[tilespmem:s26], [sflag:$0x1] =	stream.indirect_vreg.gather [hbm4b:s4+s3], $0x80, v4, vm0, $0xb8;
	[tilespmem:$0x12080] =	vst v63  }
0x89: {  	_ = 	snop  }
0x8a: {  	[tilespmem:s28], [sflag:$0x1] =	stream.indirect_vreg.gather [hbm4b:s5+s3], $0x80, v4, vm0, $0xb8;
	[tilespmem:$0x12080] =	vst v63  }
0x8b: {  	_ = 	snop  }
0x8c: {  	[tilespmem:s29], [sflag:$0x1] =	stream.indirect_vreg.gather [hbm4b:s2+s3], $0x80, v3, vm0, $0xb8;
	[tilespmem:$0x12080] =	vst v63  }
0x8d: {  	_ = 	snop  }
0x8e: {  	[tilespmem:s30], [sflag:$0x1] =	stream.indirect_vreg.gather [hbm4b:s4+s3], $0x80, v3, vm0, $0xb8;
	[tilespmem:$0x12080] =	vst v63  }
0x8f: {  	_ = 	snop  }
0x90: {  	[tilespmem:s31], [sflag:$0x1] =	stream.indirect_vreg.gather [hbm4b:s5+s3], $0x80, v3, vm0, $0xb8;
	[tilespmem:$0x12080] =	vst v63  }
0x91: {  	_ =	swait.ge [sflag:s1], $0x12000  }
0x92: {  	p0 =	sne.s32 s6, $0x1;
	[sflag:s1] =	ssyncset.done $0x0  }
.Ltmp0:
0x93: {  	s9 =	rddreg [dreg:$0x4];
	[sflag:s1] =	ssyncadd.s32 $0xFFFEE000;
	(pc) =	sbr.rel @p0 .LBB2_1-.Ltmp0, $4  }
0x94: {  	[hbm4b:s9+s3] =	stream.linear.scatter [tilespmem:s8], [sflag:$0x2], $0x12000, $0x38;
	[tilespmem:$0x12080] =	vst v63  }
0x95: {  	_ =	swait.ge [sflag:s7], $0x12000  }
0x96: {  	[sflag:s7] =	ssyncset.done $0x0  }
0x97: {  	s6 =	sadd.s32 $0xFFFFFFFF, s6;
	[sflag:s7] =	ssyncadd.s32 $0xFFFEE000  }
0x98: {  	_ =	sfence.sel $0x180000  }
0x99: {  	[bflag:$0x0] =	sbarrier.arrive $0xFFFF  }
0x9a: {  	_ =	strace $0x90000047  }
0x9b: {  	s0 =	stileid.u32;
	[bflag:$0x2] =	sbarrier.arrive $0xFFFF  }
0x9c: {  	p0 =	sne.s32 s0, $0x0;
	s0 =	rddreg [dreg:$0x2]  }
0x9d: {  	s0 =	sadd.s32 @!p0 $0x100000, s0  }
0x9e: {  	[sflag:s0] =	ssyncadd.tile.s32 @!p0 $0x1;
	_ =	shalt  }
.Lfunc_end2:
_tile_overlayer_lowered:
.L_overlay_start_2:
0x9f: {  	(tag) =	ssettag $0x2  }
0xa0: {  	s0 =	rddreg [dreg:$0x0];
	s2 =	stileid.u32  }
0xa1: {  	s1 =	rddreg [dreg:$0x1];
	p0 =	sne.s32 s2, $0x0  }
0xa2: {  	s3 =	rddreg [dreg:$0x2];
	[bflag:$0x3] =	sbarrier.arrive $0xFFFF;
	s2 =	simm.s32 @!p0 $0x1C02  }
0xa3: {  	[timem:s3], [sflag:s2] =	dma.local @!p0 [hbm:s0], s1  }
0xa4: {  	s0 =	simm.s32 @!p0 $0x2  }
0xa5: {  	_ =	swait.ge @!p0 [sflag:s0], s1  }
0xa6: {  	s1 =	ssub.s32 @!p0 $0x0, s1;
	[sflag:s0] =	ssyncset.done @!p0 $0x0  }
0xa7: {  	[sflag:s0] =	ssyncadd.s32 @!p0 s1  }
0xa8: {  	[bflag:$0x3] =	sbarrier.arrive $0xFFFF  }
0xa9: {  	_ =	shalt  }

</sc_bundles>
